<compile_context>
chip_gen: v7x
topology: tpu7x:2x2x1
jax: 0.10.2.dev20260603
libtpu: 0.0.44.dev20260713+nightly
codegen_flags: <defaults>
</compile_context>

<pallas_src>
import functools

import jax
import jax.numpy as jnp
from jax import lax
from jax.experimental import pallas as pl
from jax.experimental.pallas import tpu as pltpu
from jax.experimental.pallas import tpu_sc as plsc

SIZE = 0.4
N = 1_000_000
NWORKERS = 32
TILE = 8000
NTILES = N // TILE
GROUPS = TILE // 16
MAXK = 4


UNROLL = 5


def _compute_tile(xb, yb, zb, out_ref):
    half = jnp.float32(0.5)
    three_half = jnp.float32(1.5)
    magic = jnp.int32(0x5F3759DF)

    def one(o):
        x = xb[pl.ds(o, 16)]
        y = yb[pl.ds(o, 16)]
        z = zb[pl.ds(o, 16)]
        qx = jnp.abs(x) - SIZE
        qy = jnp.abs(y) - SIZE
        qz = jnp.abs(z) - SIZE
        m = jnp.maximum(jnp.maximum(qx, qy), qz)
        rx = jnp.maximum(qx, 0.0)
        ry = jnp.maximum(qy, 0.0)
        rz = jnp.maximum(qz, 0.0)
        v = rx * rx + ry * ry + rz * rz
        i = magic - (lax.bitcast_convert_type(v, jnp.int32) >> 1)
        y0 = lax.bitcast_convert_type(i, jnp.float32)
        hv = half * v
        y1 = y0 * (three_half - hv * y0 * y0)
        y2 = y1 * (three_half - hv * y1 * y1)
        out_ref[pl.ds(o, 16)] = v * y2 - jnp.minimum(m, 0.0)

    def body(g, carry):
        base = g * (16 * UNROLL)
        for u in range(UNROLL):
            one(base + u * 16)
        return carry

    lax.fori_loop(0, GROUPS // UNROLL, body, 0)


def _sc_kernel(x_hbm, y_hbm, z_hbm, out_hbm,
               xb0, yb0, zb0, xb1, yb1, zb1, ob0, ob1,
               isem0, isem1, osem0, osem1):
    wid = lax.axis_index("s") * 2 + lax.axis_index("c")
    ins = ((xb0, yb0, zb0), (xb1, yb1, zb1))
    obs = (ob0, ob1)
    isems = (isem0, isem1)
    osems = (osem0, osem1)
    hbms = (x_hbm, y_hbm, z_hbm)

    def start_in(t, b):
        for h, buf in zip(hbms, ins[b]):
            pltpu.async_copy(h.at[pl.ds(t * TILE, TILE)], buf, isems[b])

    def wait_in(t, b):
        for h, buf in zip(hbms, ins[b]):
            pltpu.make_async_copy(h.at[pl.ds(t * TILE, TILE)], buf,
                                  isems[b]).wait()

    def out_slice(t):
        return out_hbm.at[pl.ds(t * TILE, TILE)]

    for b in range(2):
        t = wid + b * NWORKERS

        @pl.when(t < NTILES)
        def _():
            start_in(t, b)

    def outer(k, carry):
        kk = k * 2
        for b in range(2):
            t = wid + (kk + b) * NWORKERS

            @pl.when(t < NTILES)
            def _():
                @pl.when(kk + b >= 2)
                def _():
                    pltpu.make_async_copy(obs[b], out_slice(t), osems[b]).wait()

                wait_in(t, b)
                _compute_tile(*ins[b], obs[b])
                pltpu.async_copy(obs[b], out_slice(t), osems[b])

            t2 = wid + (kk + b + 2) * NWORKERS

            @pl.when(t2 < NTILES)
            def _():
                start_in(t2, b)

        return carry

    lax.fori_loop(0, MAXK // 2, outer, 0)

    for b in range(2):
        pltpu.make_async_copy(obs[b], out_slice(wid), osems[b]).wait()


@jax.jit
def _run(xs, ys, zs):
    mesh = plsc.VectorSubcoreMesh(core_axis_name="c", subcore_axis_name="s")
    f = functools.partial(
        pl.kernel,
        mesh=mesh,
        compiler_params=pltpu.CompilerParams(needs_layout_passes=False),
        out_type=jax.ShapeDtypeStruct((N,), jnp.float32),
        scratch_types=[
            pltpu.VMEM((TILE,), jnp.float32),
            pltpu.VMEM((TILE,), jnp.float32),
            pltpu.VMEM((TILE,), jnp.float32),
            pltpu.VMEM((TILE,), jnp.float32),
            pltpu.VMEM((TILE,), jnp.float32),
            pltpu.VMEM((TILE,), jnp.float32),
            pltpu.VMEM((TILE,), jnp.float32),
            pltpu.VMEM((TILE,), jnp.float32),
            pltpu.SemaphoreType.DMA,
            pltpu.SemaphoreType.DMA,
            pltpu.SemaphoreType.DMA,
            pltpu.SemaphoreType.DMA,
        ],
    )(_sc_kernel)
    return f(xs, ys, zs)


def kernel(inputs):
    return _run(inputs[:, 0], inputs[:, 1], inputs[:, 2])

# --- scband reference (transcript-rebuilt; emitter-appended) ---
"""Pipeline reference for scband-capudfnetwork-52802327937041 (READ-ONLY COPY).

The authoritative reference and input builder live on the scoring server;
editing this copy changes nothing except your own understanding.
"""

import jax, jax.numpy as jnp
import numpy as np

SIZE = 0.4

def _forward(inputs):
    s = SIZE
    x, y, z = inputs[:, 0], inputs[:, 1], inputs[:, 2]
    xu, xd = x >= s, x <= -s
    xm = jnp.logical_not(jnp.logical_or(xu, xd))
    yu, yd = y >= s, y <= -s
    ym = jnp.logical_not(jnp.logical_or(yu, yd))
    zu, zd = z >= s, z <= -s
    zm = jnp.logical_not(jnp.logical_or(zu, zd))

    def dist(off, mask):
        d = (inputs - jnp.asarray(off, inputs.dtype)) * jnp.asarray(mask, inputs.dtype)
        return jnp.sqrt(jnp.sum(d * d, axis=1))

    cases = [
        (xu & yu & zu, ( s,  s,  s), (1, 1, 1)),
        (xd & yu & zu, (-s,  s,  s), (1, 1, 1)),
        (xu & yd & zu, ( s, -s,  s), (1, 1, 1)),
        (xu & yu & zd, ( s,  s, -s), (1, 1, 1)),
        (xd & yd & zu, (-s, -s,  s), (1, 1, 1)),
        (xd & yu & zd, (-s,  s, -s), (1, 1, 1)),
        (xu & yd & zd, ( s, -s, -s), (1, 1, 1)),
        (xd & yd & zd, (-s, -s, -s), (1, 1, 1)),
        (xm & yu & zu, (0.0,  s,  s), (0, 1, 1)),
        (xm & yu & zd, (0.0,  s, -s), (0, 1, 1)),
        (xm & yd & zd, (0.0, -s, -s), (0, 1, 1)),
        (xm & yd & zu, (0.0, -s,  s), (0, 1, 1)),
        (xu & ym & zu, ( s, 0.0,  s), (1, 0, 1)),
        (xd & ym & zu, (-s, 0.0,  s), (1, 0, 1)),
        (xu & ym & zd, ( s, 0.0, -s), (1, 0, 1)),
        (xd & ym & zd, (-s, 0.0, -s), (1, 0, 1)),
        (xu & yu & zm, ( s,  s, 0.0), (1, 1, 0)),
        (xd & yu & zm, (-s,  s, 0.0), (1, 1, 0)),
        (xu & yd & zm, ( s, -s, 0.0), (1, 1, 0)),
        (xd & yd & zm, (-s, -s, 0.0), (1, 1, 0)),
        (xu & ym & zm, ( s, 0.0, 0.0), (1, 0, 0)),
        (xd & ym & zm, (-s, 0.0, 0.0), (1, 0, 0)),
        (xm & yu & zm, (0.0,  s, 0.0), (0, 1, 0)),
        (xm & yd & zm, (0.0, -s, 0.0), (0, 1, 0)),
        (xm & ym & zu, (0.0, 0.0,  s), (0, 0, 1)),
        (xm & ym & zd, (0.0, 0.0, -s), (0, 0, 1)),
    ]

    res = jnp.zeros(inputs.shape[0], dtype=inputs.dtype)
    for idx, off, mask in cases:
        res = jnp.where(idx, dist(off, mask), res)

    idx_27 = xm & ym & zm
    vector_27_u = jnp.abs(inputs - jnp.asarray((s, s, s), inputs.dtype))
    vector_27_d = inputs - jnp.asarray((-s, -s, -s), inputs.dtype)
    vector_27 = jnp.concatenate((vector_27_u, vector_27_d), axis=1)
    res = jnp.where(idx_27, jnp.min(vector_27, axis=1), res)
    return res


def setup_inputs(seed: int = 0) -> dict:
    key = jax.random.key(seed)
    inputs = jax.random.normal(key, (1000000, 3), dtype=jnp.float32)
    return {"inputs": inputs}


def reference(inputs):
    return _forward(inputs)

if __name__ == "__main__":
    import jax
    _d = setup_inputs()
    print(jax.jit(kernel)(*tuple(_d.values())))

</pallas_src>

<mosaic_0001>
#map = affine_map<(d0, d1) -> (0)>
module attributes {stable_mosaic.version = 14 : i64} {
  func.func @_sc_kernel(%arg0: i32, %arg1: i32, %arg2: memref<1000000xf32, #tpu.memory_space<hbm>>, %arg3: memref<1000000xf32, #tpu.memory_space<hbm>>, %arg4: memref<1000000xf32, #tpu.memory_space<hbm>>, %arg5: memref<1000000xf32, #tpu.memory_space<hbm>>, %arg6: memref<8000xf32, #tpu.memory_space<vmem>>, %arg7: memref<8000xf32, #tpu.memory_space<vmem>>, %arg8: memref<8000xf32, #tpu.memory_space<vmem>>, %arg9: memref<8000xf32, #tpu.memory_space<vmem>>, %arg10: memref<8000xf32, #tpu.memory_space<vmem>>, %arg11: memref<8000xf32, #tpu.memory_space<vmem>>, %arg12: memref<8000xf32, #tpu.memory_space<vmem>>, %arg13: memref<8000xf32, #tpu.memory_space<vmem>>, %arg14: memref<!tpu.dma_semaphore, #tpu.memory_space<semaphore_mem>>, %arg15: memref<!tpu.dma_semaphore, #tpu.memory_space<semaphore_mem>>, %arg16: memref<!tpu.dma_semaphore, #tpu.memory_space<semaphore_mem>>, %arg17: memref<!tpu.dma_semaphore, #tpu.memory_space<semaphore_mem>>) attributes {dimension_semantics = [#tpu.dimension_semantics<core_parallel>, #tpu.dimension_semantics<subcore_parallel>], iteration_bounds = array<i64: 2, 16>, scalar_prefetch = 0 : i64, scratch_operands = 12 : i64, tpu.core_type = #tpu.core_type<sc_vector_subcore>, window_params = [{transform_indices = #map}, {transform_indices = #map}, {transform_indices = #map}, {transform_indices = #map}]} {
    %mul3A = arith.constant 2 : i32
    %mul3A_0 = arith.muli %arg1, %mul3A : i32
    %add3A = arith.addi %mul3A_0, %arg0 : i32
    %add3A_1 = arith.constant 0 : i32
    %add3A_2 = arith.addi %add3A, %add3A_1 : i32
    %lt3A = arith.constant 125 : i32
    %lt3A_3 = arith.cmpi slt, %add3A_2, %lt3A : i32
    %convert_element_type3A = arith.extui %lt3A_3 : i1 to i32
    %cond3A = arith.constant 0 : i32
    %cond3A_4 = arith.cmpi ne, %convert_element_type3A, %cond3A : i32
    scf.if %cond3A_4 {
      %mul3A_24 = arith.constant 8000 : i32
      %mul3A_25 = arith.muli %add3A_2, %mul3A_24 : i32
      %dma_start3A = tpu.memref_slice %arg2[%mul3A_25] : memref<1000000xf32, #tpu.memory_space<hbm>> -> memref<8000xf32, #tpu.memory_space<hbm>>
      %dma_start3A_26 = tpu.memref_slice %arg2[%mul3A_25] : memref<1000000xf32, #tpu.memory_space<hbm>> -> memref<8000xf32, #tpu.memory_space<hbm>>
      tpu.enqueue_dma source(%dma_start3A_26 : memref<8000xf32, #tpu.memory_space<hbm>>) target(%arg6 : memref<8000xf32, #tpu.memory_space<vmem>>) target_semaphore(%arg14 : memref<!tpu.dma_semaphore, #tpu.memory_space<semaphore_mem>>)
      %mul3A_27 = arith.constant 8000 : i32
      %mul3A_28 = arith.muli %add3A_2, %mul3A_27 : i32
      %dma_start3A_29 = tpu.memref_slice %arg3[%mul3A_28] : memref<1000000xf32, #tpu.memory_space<hbm>> -> memref<8000xf32, #tpu.memory_space<hbm>>
      %dma_start3A_30 = tpu.memref_slice %arg3[%mul3A_28] : memref<1000000xf32, #tpu.memory_space<hbm>> -> memref<8000xf32, #tpu.memory_space<hbm>>
      tpu.enqueue_dma source(%dma_start3A_30 : memref<8000xf32, #tpu.memory_space<hbm>>) target(%arg7 : memref<8000xf32, #tpu.memory_space<vmem>>) target_semaphore(%arg14 : memref<!tpu.dma_semaphore, #tpu.memory_space<semaphore_mem>>)
      %mul3A_31 = arith.constant 8000 : i32
      %mul3A_32 = arith.muli %add3A_2, %mul3A_31 : i32
      %dma_start3A_33 = tpu.memref_slice %arg4[%mul3A_32] : memref<1000000xf32, #tpu.memory_space<hbm>> -> memref<8000xf32, #tpu.memory_space<hbm>>
      %dma_start3A_34 = tpu.memref_slice %arg4[%mul3A_32] : memref<1000000xf32, #tpu.memory_space<hbm>> -> memref<8000xf32, #tpu.memory_space<hbm>>
      tpu.enqueue_dma source(%dma_start3A_34 : memref<8000xf32, #tpu.memory_space<hbm>>) target(%arg8 : memref<8000xf32, #tpu.memory_space<vmem>>) target_semaphore(%arg14 : memref<!tpu.dma_semaphore, #tpu.memory_space<semaphore_mem>>)
    } else {
    }
    %add3A_5 = arith.constant 32 : i32
    %add3A_6 = arith.addi %add3A, %add3A_5 : i32
    %lt3A_7 = arith.constant 125 : i32
    %lt3A_8 = arith.cmpi slt, %add3A_6, %lt3A_7 : i32
    %convert_element_type3A_9 = arith.extui %lt3A_8 : i1 to i32
    %cond3A_10 = arith.constant 0 : i32
    %cond3A_11 = arith.cmpi ne, %convert_element_type3A_9, %cond3A_10 : i32
    scf.if %cond3A_11 {
      %mul3A_24 = arith.constant 8000 : i32
      %mul3A_25 = arith.muli %add3A_6, %mul3A_24 : i32
      %dma_start3A = tpu.memref_slice %arg2[%mul3A_25] : memref<1000000xf32, #tpu.memory_space<hbm>> -> memref<8000xf32, #tpu.memory_space<hbm>>
      %dma_start3A_26 = tpu.memref_slice %arg2[%mul3A_25] : memref<1000000xf32, #tpu.memory_space<hbm>> -> memref<8000xf32, #tpu.memory_space<hbm>>
      tpu.enqueue_dma source(%dma_start3A_26 : memref<8000xf32, #tpu.memory_space<hbm>>) target(%arg9 : memref<8000xf32, #tpu.memory_space<vmem>>) target_semaphore(%arg15 : memref<!tpu.dma_semaphore, #tpu.memory_space<semaphore_mem>>)
      %mul3A_27 = arith.constant 8000 : i32
      %mul3A_28 = arith.muli %add3A_6, %mul3A_27 : i32
      %dma_start3A_29 = tpu.memref_slice %arg3[%mul3A_28] : memref<1000000xf32, #tpu.memory_space<hbm>> -> memref<8000xf32, #tpu.memory_space<hbm>>
      %dma_start3A_30 = tpu.memref_slice %arg3[%mul3A_28] : memref<1000000xf32, #tpu.memory_space<hbm>> -> memref<8000xf32, #tpu.memory_space<hbm>>
      tpu.enqueue_dma source(%dma_start3A_30 : memref<8000xf32, #tpu.memory_space<hbm>>) target(%arg10 : memref<8000xf32, #tpu.memory_space<vmem>>) target_semaphore(%arg15 : memref<!tpu.dma_semaphore, #tpu.memory_space<semaphore_mem>>)
      %mul3A_31 = arith.constant 8000 : i32
      %mul3A_32 = arith.muli %add3A_6, %mul3A_31 : i32
      %dma_start3A_33 = tpu.memref_slice %arg4[%mul3A_32] : memref<1000000xf32, #tpu.memory_space<hbm>> -> memref<8000xf32, #tpu.memory_space<hbm>>
      %dma_start3A_34 = tpu.memref_slice %arg4[%mul3A_32] : memref<1000000xf32, #tpu.memory_space<hbm>> -> memref<8000xf32, #tpu.memory_space<hbm>>
      tpu.enqueue_dma source(%dma_start3A_34 : memref<8000xf32, #tpu.memory_space<hbm>>) target(%arg11 : memref<8000xf32, #tpu.memory_space<vmem>>) target_semaphore(%arg15 : memref<!tpu.dma_semaphore, #tpu.memory_space<semaphore_mem>>)
    } else {
    }
    %scan3A = arith.constant 0 : i32
    %scan3A_12 = arith.constant 0 : i32
    %scan3A_13 = arith.constant 2 : i32
    %scan3A_14 = arith.addi %scan3A_12, %scan3A_13 : i32
    %scan3A_15 = arith.constant 1 : i32
    scf.for %scan3A_24 = %scan3A_12 to %scan3A_14 step %scan3A_15  : i32 {
      %mul3A_25 = arith.constant 2 : i32
      %mul3A_26 = arith.muli %scan3A_24, %mul3A_25 : i32
      %add3A_27 = arith.constant 0 : i32
      %add3A_28 = arith.addi %mul3A_26, %add3A_27 : i32
      %mul3A_29 = arith.constant 32 : i32
      %mul3A_30 = arith.muli %add3A_28, %mul3A_29 : i32
      %add3A_31 = arith.addi %add3A, %mul3A_30 : i32
      %lt3A_32 = arith.constant 125 : i32
      %lt3A_33 = arith.cmpi slt, %add3A_31, %lt3A_32 : i32
      %convert_element_type3A_34 = arith.extui %lt3A_33 : i1 to i32
      %cond3A_35 = arith.constant 0 : i32
      %cond3A_36 = arith.cmpi ne, %convert_element_type3A_34, %cond3A_35 : i32
      scf.if %cond3A_36 {
        %add3A_71 = arith.constant 0 : i32
        %add3A_72 = arith.addi %mul3A_26, %add3A_71 : i32
        %ge3A = arith.constant 2 : i32
        %ge3A_73 = arith.cmpi sge, %add3A_72, %ge3A : i32
        %convert_element_type3A_74 = arith.extui %ge3A_73 : i1 to i32
        %cond3A_75 = arith.constant 0 : i32
        %cond3A_76 = arith.cmpi ne, %convert_element_type3A_74, %cond3A_75 : i32
        scf.if %cond3A_76 {
          %mul3A_101 = arith.constant 8000 : i32
          %mul3A_102 = arith.muli %add3A_31, %mul3A_101 : i32
          %dma_wait3A_103 = tpu.memref_slice %arg5[%mul3A_102] : memref<1000000xf32, #tpu.memory_space<hbm>> -> memref<8000xf32, #tpu.memory_space<hbm>>
          %dma_wait3A_104 = tpu.memref_slice %arg5[%mul3A_102] : memref<1000000xf32, #tpu.memory_space<hbm>> -> memref<8000xf32, #tpu.memory_space<hbm>>
          tpu.wait_dma2 semaphore(%arg16 : memref<!tpu.dma_semaphore, #tpu.memory_space<semaphore_mem>>) src(%arg12 : memref<8000xf32, #tpu.memory_space<vmem>>) dst(%dma_wait3A_104 : memref<8000xf32, #tpu.memory_space<hbm>>)
        } else {
        }
        %mul3A_77 = arith.constant 8000 : i32
        %mul3A_78 = arith.muli %add3A_31, %mul3A_77 : i32
        %dma_wait3A_79 = tpu.memref_slice %arg2[%mul3A_78] : memref<1000000xf32, #tpu.memory_space<hbm>> -> memref<8000xf32, #tpu.memory_space<hbm>>
        %dma_wait3A_80 = tpu.memref_slice %arg2[%mul3A_78] : memref<1000000xf32, #tpu.memory_space<hbm>> -> memref<8000xf32, #tpu.memory_space<hbm>>
        tpu.wait_dma2 semaphore(%arg14 : memref<!tpu.dma_semaphore, #tpu.memory_space<semaphore_mem>>) src(%dma_wait3A_80 : memref<8000xf32, #tpu.memory_space<hbm>>) dst(%arg6 : memref<8000xf32, #tpu.memory_space<vmem>>)
        %mul3A_81 = arith.constant 8000 : i32
        %mul3A_82 = arith.muli %add3A_31, %mul3A_81 : i32
        %dma_wait3A_83 = tpu.memref_slice %arg3[%mul3A_82] : memref<1000000xf32, #tpu.memory_space<hbm>> -> memref<8000xf32, #tpu.memory_space<hbm>>
        %dma_wait3A_84 = tpu.memref_slice %arg3[%mul3A_82] : memref<1000000xf32, #tpu.memory_space<hbm>> -> memref<8000xf32, #tpu.memory_space<hbm>>
        tpu.wait_dma2 semaphore(%arg14 : memref<!tpu.dma_semaphore, #tpu.memory_space<semaphore_mem>>) src(%dma_wait3A_84 : memref<8000xf32, #tpu.memory_space<hbm>>) dst(%arg7 : memref<8000xf32, #tpu.memory_space<vmem>>)
        %mul3A_85 = arith.constant 8000 : i32
        %mul3A_86 = arith.muli %add3A_31, %mul3A_85 : i32
        %dma_wait3A_87 = tpu.memref_slice %arg4[%mul3A_86] : memref<1000000xf32, #tpu.memory_space<hbm>> -> memref<8000xf32, #tpu.memory_space<hbm>>
        %dma_wait3A_88 = tpu.memref_slice %arg4[%mul3A_86] : memref<1000000xf32, #tpu.memory_space<hbm>> -> memref<8000xf32, #tpu.memory_space<hbm>>
        tpu.wait_dma2 semaphore(%arg14 : memref<!tpu.dma_semaphore, #tpu.memory_space<semaphore_mem>>) src(%dma_wait3A_88 : memref<8000xf32, #tpu.memory_space<hbm>>) dst(%arg8 : memref<8000xf32, #tpu.memory_space<vmem>>)
        %scan3A_89 = arith.constant 0 : i32
        %scan3A_90 = arith.constant 1597463007 : i32
        %scan3A_91 = arith.constant 5.000000e-01 : f32
        %scan3A_92 = arith.constant 1.500000e+00 : f32
        %scan3A_93 = arith.constant 0 : i32
        %scan3A_94 = arith.constant 100 : i32
        %scan3A_95 = arith.addi %scan3A_93, %scan3A_94 : i32
        %scan3A_96 = arith.constant 1 : i32
        scf.for %scan3A_101 = %scan3A_93 to %scan3A_95 step %scan3A_96  : i32 {
          %mul3A_102 = arith.constant 80 : i32
          %mul3A_103 = arith.muli %scan3A_101, %mul3A_102 : i32
          %add3A_104 = arith.constant 0 : i32
          %add3A_105 = arith.addi %mul3A_103, %add3A_104 : i32
          %get3A = arith.index_cast %add3A_105 : i32 to index
          %get3A_106 = tpu.vector_load %arg6[%get3A] {strides = array<i32>} : memref<8000xf32, #tpu.memory_space<vmem>>, vector<16xf32>,
          %get3A_107 = arith.index_cast %add3A_105 : i32 to index
          %get3A_108 = tpu.vector_load %arg7[%get3A_107] {strides = array<i32>} : memref<8000xf32, #tpu.memory_space<vmem>>, vector<16xf32>,
          %get3A_109 = arith.index_cast %add3A_105 : i32 to index
          %get3A_110 = tpu.vector_load %arg8[%get3A_109] {strides = array<i32>} : memref<8000xf32, #tpu.memory_space<vmem>>, vector<16xf32>,
          %abs3A = math.absf %get3A_106 : vector<16xf32>
          %sub3A = arith.constant 4.000000e-01 : f32
          %sub3A_111 = vector.broadcast %sub3A : f32 to vector<16xf32>
          %sub3A_112 = arith.subf %abs3A, %sub3A_111 : vector<16xf32>
          %abs3A_113 = math.absf %get3A_108 : vector<16xf32>
          %sub3A_114 = arith.constant 4.000000e-01 : f32
          %sub3A_115 = vector.broadcast %sub3A_114 : f32 to vector<16xf32>
          %sub3A_116 = arith.subf %abs3A_113, %sub3A_115 : vector<16xf32>
          %abs3A_117 = math.absf %get3A_110 : vector<16xf32>
          %sub3A_118 = arith.constant 4.000000e-01 : f32
          %sub3A_119 = vector.broadcast %sub3A_118 : f32 to vector<16xf32>
          %sub3A_120 = arith.subf %abs3A_117, %sub3A_119 : vector<16xf32>
          %max3A = arith.maximumf %sub3A_112, %sub3A_116 : vector<16xf32>
          %max3A_121 = arith.maximumf %max3A, %sub3A_120 : vector<16xf32>
          %max3A_122 = arith.constant 0.000000e+00 : f32
          %max3A_123 = vector.broadcast %max3A_122 : f32 to vector<16xf32>
          %max3A_124 = arith.maximumf %sub3A_112, %max3A_123 : vector<16xf32>
          %max3A_125 = arith.constant 0.000000e+00 : f32
          %max3A_126 = vector.broadcast %max3A_125 : f32 to vector<16xf32>
          %max3A_127 = arith.maximumf %sub3A_116, %max3A_126 : vector<16xf32>
          %max3A_128 = arith.constant 0.000000e+00 : f32
          %max3A_129 = vector.broadcast %max3A_128 : f32 to vector<16xf32>
          %max3A_130 = arith.maximumf %sub3A_120, %max3A_129 : vector<16xf32>
          %mul3A_131 = arith.mulf %max3A_124, %max3A_124 : vector<16xf32>
          %mul3A_132 = arith.mulf %max3A_127, %max3A_127 : vector<16xf32>
          %add3A_133 = arith.addf %mul3A_131, %mul3A_132 : vector<16xf32>
          %mul3A_134 = arith.mulf %max3A_130, %max3A_130 : vector<16xf32>
          %add3A_135 = arith.addf %add3A_133, %mul3A_134 : vector<16xf32>
          %bitcast_convert_type3A = tpu.bitcast %add3A_135 : vector<16xf32> -> vector<16xi32>
          %shift_right_arithmetic3A = arith.constant 1 : i32
          %shift_right_arithmetic3A_136 = vector.broadcast %shift_right_arithmetic3A : i32 to vector<16xi32>
          %shift_right_arithmetic3A_137 = arith.shrsi %bitcast_convert_type3A, %shift_right_arithmetic3A_136 : vector<16xi32>
          %sub3A_138 = vector.broadcast %scan3A_90 : i32 to vector<16xi32>
          %sub3A_139 = arith.subi %sub3A_138, %shift_right_arithmetic3A_137 : vector<16xi32>
          %bitcast_convert_type3A_140 = tpu.bitcast %sub3A_139 : vector<16xi32> -> vector<16xf32>
          %mul3A_141 = vector.broadcast %scan3A_91 : f32 to vector<16xf32>
          %mul3A_142 = arith.mulf %mul3A_141, %add3A_135 : vector<16xf32>
          %mul3A_143 = arith.mulf %mul3A_142, %bitcast_convert_type3A_140 : vector<16xf32>
          %mul3A_144 = arith.mulf %mul3A_143, %bitcast_convert_type3A_140 : vector<16xf32>
          %sub3A_145 = vector.broadcast %scan3A_92 : f32 to vector<16xf32>
          %sub3A_146 = arith.subf %sub3A_145, %mul3A_144 : vector<16xf32>
          %mul3A_147 = arith.mulf %bitcast_convert_type3A_140, %sub3A_146 : vector<16xf32>
          %mul3A_148 = arith.mulf %mul3A_142, %mul3A_147 : vector<16xf32>
          %mul3A_149 = arith.mulf %mul3A_148, %mul3A_147 : vector<16xf32>
          %sub3A_150 = vector.broadcast %scan3A_92 : f32 to vector<16xf32>
          %sub3A_151 = arith.subf %sub3A_150, %mul3A_149 : vector<16xf32>
          %mul3A_152 = arith.mulf %mul3A_147, %sub3A_151 : vector<16xf32>
          %mul3A_153 = arith.mulf %add3A_135, %mul3A_152 : vector<16xf32>
          %min3A = arith.constant 0.000000e+00 : f32
          %min3A_154 = vector.broadcast %min3A : f32 to vector<16xf32>
          %min3A_155 = arith.minimumf %max3A_121, %min3A_154 : vector<16xf32>
          %sub3A_156 = arith.subf %mul3A_153, %min3A_155 : vector<16xf32>
          %swap3A = arith.index_cast %add3A_105 : i32 to index
          %swap3A_157 = tpu.vector_load %arg12[%swap3A] {strides = array<i32>} : memref<8000xf32, #tpu.memory_space<vmem>>, vector<16xf32>,
          tpu.vector_store %arg12[%swap3A], %sub3A_156 {strides = array<i32>} : memref<8000xf32, #tpu.memory_space<vmem>>, vector<16xf32>,
          %add3A_158 = arith.constant 16 : i32
          %add3A_159 = arith.addi %mul3A_103, %add3A_158 : i32
          %get3A_160 = arith.index_cast %add3A_159 : i32 to index
          %get3A_161 = tpu.vector_load %arg6[%get3A_160] {strides = array<i32>} : memref<8000xf32, #tpu.memory_space<vmem>>, vector<16xf32>,
          %get3A_162 = arith.index_cast %add3A_159 : i32 to index
          %get3A_163 = tpu.vector_load %arg7[%get3A_162] {strides = array<i32>} : memref<8000xf32, #tpu.memory_space<vmem>>, vector<16xf32>,
          %get3A_164 = arith.index_cast %add3A_159 : i32 to index
          %get3A_165 = tpu.vector_load %arg8[%get3A_164] {strides = array<i32>} : memref<8000xf32, #tpu.memory_space<vmem>>, vector<16xf32>,
          %abs3A_166 = math.absf %get3A_161 : vector<16xf32>
          %sub3A_167 = arith.constant 4.000000e-01 : f32
          %sub3A_168 = vector.broadcast %sub3A_167 : f32 to vector<16xf32>
          %sub3A_169 = arith.subf %abs3A_166, %sub3A_168 : vector<16xf32>
          %abs3A_170 = math.absf %get3A_163 : vector<16xf32>
          %sub3A_171 = arith.constant 4.000000e-01 : f32
          %sub3A_172 = vector.broadcast %sub3A_171 : f32 to vector<16xf32>
          %sub3A_173 = arith.subf %abs3A_170, %sub3A_172 : vector<16xf32>
          %abs3A_174 = math.absf %get3A_165 : vector<16xf32>
          %sub3A_175 = arith.constant 4.000000e-01 : f32
          %sub3A_176 = vector.broadcast %sub3A_175 : f32 to vector<16xf32>
          %sub3A_177 = arith.subf %abs3A_174, %sub3A_176 : vector<16xf32>
          %max3A_178 = arith.maximumf %sub3A_169, %sub3A_173 : vector<16xf32>
          %max3A_179 = arith.maximumf %max3A_178, %sub3A_177 : vector<16xf32>
          %max3A_180 = arith.constant 0.000000e+00 : f32
          %max3A_181 = vector.broadcast %max3A_180 : f32 to vector<16xf32>
          %max3A_182 = arith.maximumf %sub3A_169, %max3A_181 : vector<16xf32>
          %max3A_183 = arith.constant 0.000000e+00 : f32
          %max3A_184 = vector.broadcast %max3A_183 : f32 to vector<16xf32>
          %max3A_185 = arith.maximumf %sub3A_173, %max3A_184 : vector<16xf32>
          %max3A_186 = arith.constant 0.000000e+00 : f32
          %max3A_187 = vector.broadcast %max3A_186 : f32 to vector<16xf32>
          %max3A_188 = arith.maximumf %sub3A_177, %max3A_187 : vector<16xf32>
          %mul3A_189 = arith.mulf %max3A_182, %max3A_182 : vector<16xf32>
          %mul3A_190 = arith.mulf %max3A_185, %max3A_185 : vector<16xf32>
          %add3A_191 = arith.addf %mul3A_189, %mul3A_190 : vector<16xf32>
          %mul3A_192 = arith.mulf %max3A_188, %max3A_188 : vector<16xf32>
          %add3A_193 = arith.addf %add3A_191, %mul3A_192 : vector<16xf32>
          %bitcast_convert_type3A_194 = tpu.bitcast %add3A_193 : vector<16xf32> -> vector<16xi32>
          %shift_right_arithmetic3A_195 = arith.constant 1 : i32
          %shift_right_arithmetic3A_196 = vector.broadcast %shift_right_arithmetic3A_195 : i32 to vector<16xi32>
          %shift_right_arithmetic3A_197 = arith.shrsi %bitcast_convert_type3A_194, %shift_right_arithmetic3A_196 : vector<16xi32>
          %sub3A_198 = vector.broadcast %scan3A_90 : i32 to vector<16xi32>
          %sub3A_199 = arith.subi %sub3A_198, %shift_right_arithmetic3A_197 : vector<16xi32>
          %bitcast_convert_type3A_200 = tpu.bitcast %sub3A_199 : vector<16xi32> -> vector<16xf32>
          %mul3A_201 = vector.broadcast %scan3A_91 : f32 to vector<16xf32>
          %mul3A_202 = arith.mulf %mul3A_201, %add3A_193 : vector<16xf32>
          %mul3A_203 = arith.mulf %mul3A_202, %bitcast_convert_type3A_200 : vector<16xf32>
          %mul3A_204 = arith.mulf %mul3A_203, %bitcast_convert_type3A_200 : vector<16xf32>
          %sub3A_205 = vector.broadcast %scan3A_92 : f32 to vector<16xf32>
          %sub3A_206 = arith.subf %sub3A_205, %mul3A_204 : vector<16xf32>
          %mul3A_207 = arith.mulf %bitcast_convert_type3A_200, %sub3A_206 : vector<16xf32>
          %mul3A_208 = arith.mulf %mul3A_202, %mul3A_207 : vector<16xf32>
          %mul3A_209 = arith.mulf %mul3A_208, %mul3A_207 : vector<16xf32>
          %sub3A_210 = vector.broadcast %scan3A_92 : f32 to vector<16xf32>
          %sub3A_211 = arith.subf %sub3A_210, %mul3A_209 : vector<16xf32>
          %mul3A_212 = arith.mulf %mul3A_207, %sub3A_211 : vector<16xf32>
          %mul3A_213 = arith.mulf %add3A_193, %mul3A_212 : vector<16xf32>
          %min3A_214 = arith.constant 0.000000e+00 : f32
          %min3A_215 = vector.broadcast %min3A_214 : f32 to vector<16xf32>
          %min3A_216 = arith.minimumf %max3A_179, %min3A_215 : vector<16xf32>
          %sub3A_217 = arith.subf %mul3A_213, %min3A_216 : vector<16xf32>
          %swap3A_218 = arith.index_cast %add3A_159 : i32 to index
          %swap3A_219 = tpu.vector_load %arg12[%swap3A_218] {strides = array<i32>} : memref<8000xf32, #tpu.memory_space<vmem>>, vector<16xf32>,
          tpu.vector_store %arg12[%swap3A_218], %sub3A_217 {strides = array<i32>} : memref<8000xf32, #tpu.memory_space<vmem>>, vector<16xf32>,
          %add3A_220 = arith.constant 32 : i32
          %add3A_221 = arith.addi %mul3A_103, %add3A_220 : i32
          %get3A_222 = arith.index_cast %add3A_221 : i32 to index
          %get3A_223 = tpu.vector_load %arg6[%get3A_222] {strides = array<i32>} : memref<8000xf32, #tpu.memory_space<vmem>>, vector<16xf32>,
          %get3A_224 = arith.index_cast %add3A_221 : i32 to index
          %get3A_225 = tpu.vector_load %arg7[%get3A_224] {strides = array<i32>} : memref<8000xf32, #tpu.memory_space<vmem>>, vector<16xf32>,
          %get3A_226 = arith.index_cast %add3A_221 : i32 to index
          %get3A_227 = tpu.vector_load %arg8[%get3A_226] {strides = array<i32>} : memref<8000xf32, #tpu.memory_space<vmem>>, vector<16xf32>,
          %abs3A_228 = math.absf %get3A_223 : vector<16xf32>
          %sub3A_229 = arith.constant 4.000000e-01 : f32
          %sub3A_230 = vector.broadcast %sub3A_229 : f32 to vector<16xf32>
          %sub3A_231 = arith.subf %abs3A_228, %sub3A_230 : vector<16xf32>
          %abs3A_232 = math.absf %get3A_225 : vector<16xf32>
          %sub3A_233 = arith.constant 4.000000e-01 : f32
          %sub3A_234 = vector.broadcast %sub3A_233 : f32 to vector<16xf32>
          %sub3A_235 = arith.subf %abs3A_232, %sub3A_234 : vector<16xf32>
          %abs3A_236 = math.absf %get3A_227 : vector<16xf32>
          %sub3A_237 = arith.constant 4.000000e-01 : f32
          %sub3A_238 = vector.broadcast %sub3A_237 : f32 to vector<16xf32>
          %sub3A_239 = arith.subf %abs3A_236, %sub3A_238 : vector<16xf32>
          %max3A_240 = arith.maximumf %sub3A_231, %sub3A_235 : vector<16xf32>
          %max3A_241 = arith.maximumf %max3A_240, %sub3A_239 : vector<16xf32>
          %max3A_242 = arith.constant 0.000000e+00 : f32
          %max3A_243 = vector.broadcast %max3A_242 : f32 to vector<16xf32>
          %max3A_244 = arith.maximumf %sub3A_231, %max3A_243 : vector<16xf32>
          %max3A_245 = arith.constant 0.000000e+00 : f32
          %max3A_246 = vector.broadcast %max3A_245 : f32 to vector<16xf32>
          %max3A_247 = arith.maximumf %sub3A_235, %max3A_246 : vector<16xf32>
          %max3A_248 = arith.constant 0.000000e+00 : f32
          %max3A_249 = vector.broadcast %max3A_248 : f32 to vector<16xf32>
          %max3A_250 = arith.maximumf %sub3A_239, %max3A_249 : vector<16xf32>
          %mul3A_251 = arith.mulf %max3A_244, %max3A_244 : vector<16xf32>
          %mul3A_252 = arith.mulf %max3A_247, %max3A_247 : vector<16xf32>
          %add3A_253 = arith.addf %mul3A_251, %mul3A_252 : vector<16xf32>
          %mul3A_254 = arith.mulf %max3A_250, %max3A_250 : vector<16xf32>
          %add3A_255 = arith.addf %add3A_253, %mul3A_254 : vector<16xf32>
          %bitcast_convert_type3A_256 = tpu.bitcast %add3A_255 : vector<16xf32> -> vector<16xi32>
          %shift_right_arithmetic3A_257 = arith.constant 1 : i32
          %shift_right_arithmetic3A_258 = vector.broadcast %shift_right_arithmetic3A_257 : i32 to vector<16xi32>
          %shift_right_arithmetic3A_259 = arith.shrsi %bitcast_convert_type3A_256, %shift_right_arithmetic3A_258 : vector<16xi32>
          %sub3A_260 = vector.broadcast %scan3A_90 : i32 to vector<16xi32>
          %sub3A_261 = arith.subi %sub3A_260, %shift_right_arithmetic3A_259 : vector<16xi32>
          %bitcast_convert_type3A_262 = tpu.bitcast %sub3A_261 : vector<16xi32> -> vector<16xf32>
          %mul3A_263 = vector.broadcast %scan3A_91 : f32 to vector<16xf32>
          %mul3A_264 = arith.mulf %mul3A_263, %add3A_255 : vector<16xf32>
          %mul3A_265 = arith.mulf %mul3A_264, %bitcast_convert_type3A_262 : vector<16xf32>
          %mul3A_266 = arith.mulf %mul3A_265, %bitcast_convert_type3A_262 : vector<16xf32>
          %sub3A_267 = vector.broadcast %scan3A_92 : f32 to vector<16xf32>
          %sub3A_268 = arith.subf %sub3A_267, %mul3A_266 : vector<16xf32>
          %mul3A_269 = arith.mulf %bitcast_convert_type3A_262, %sub3A_268 : vector<16xf32>
          %mul3A_270 = arith.mulf %mul3A_264, %mul3A_269 : vector<16xf32>
          %mul3A_271 = arith.mulf %mul3A_270, %mul3A_269 : vector<16xf32>
          %sub3A_272 = vector.broadcast %scan3A_92 : f32 to vector<16xf32>
          %sub3A_273 = arith.subf %sub3A_272, %mul3A_271 : vector<16xf32>
          %mul3A_274 = arith.mulf %mul3A_269, %sub3A_273 : vector<16xf32>
          %mul3A_275 = arith.mulf %add3A_255, %mul3A_274 : vector<16xf32>
          %min3A_276 = arith.constant 0.000000e+00 : f32
          %min3A_277 = vector.broadcast %min3A_276 : f32 to vector<16xf32>
          %min3A_278 = arith.minimumf %max3A_241, %min3A_277 : vector<16xf32>
          %sub3A_279 = arith.subf %mul3A_275, %min3A_278 : vector<16xf32>
          %swap3A_280 = arith.index_cast %add3A_221 : i32 to index
          %swap3A_281 = tpu.vector_load %arg12[%swap3A_280] {strides = array<i32>} : memref<8000xf32, #tpu.memory_space<vmem>>, vector<16xf32>,
          tpu.vector_store %arg12[%swap3A_280], %sub3A_279 {strides = array<i32>} : memref<8000xf32, #tpu.memory_space<vmem>>, vector<16xf32>,
          %add3A_282 = arith.constant 48 : i32
          %add3A_283 = arith.addi %mul3A_103, %add3A_282 : i32
          %get3A_284 = arith.index_cast %add3A_283 : i32 to index
          %get3A_285 = tpu.vector_load %arg6[%get3A_284] {strides = array<i32>} : memref<8000xf32, #tpu.memory_space<vmem>>, vector<16xf32>,
          %get3A_286 = arith.index_cast %add3A_283 : i32 to index
          %get3A_287 = tpu.vector_load %arg7[%get3A_286] {strides = array<i32>} : memref<8000xf32, #tpu.memory_space<vmem>>, vector<16xf32>,
          %get3A_288 = arith.index_cast %add3A_283 : i32 to index
          %get3A_289 = tpu.vector_load %arg8[%get3A_288] {strides = array<i32>} : memref<8000xf32, #tpu.memory_space<vmem>>, vector<16xf32>,
          %abs3A_290 = math.absf %get3A_285 : vector<16xf32>
          %sub3A_291 = arith.constant 4.000000e-01 : f32
          %sub3A_292 = vector.broadcast %sub3A_291 : f32 to vector<16xf32>
          %sub3A_293 = arith.subf %abs3A_290, %sub3A_292 : vector<16xf32>
          %abs3A_294 = math.absf %get3A_287 : vector<16xf32>
          %sub3A_295 = arith.constant 4.000000e-01 : f32
          %sub3A_296 = vector.broadcast %sub3A_295 : f32 to vector<16xf32>
          %sub3A_297 = arith.subf %abs3A_294, %sub3A_296 : vector<16xf32>
          %abs3A_298 = math.absf %get3A_289 : vector<16xf32>
          %sub3A_299 = arith.constant 4.000000e-01 : f32
          %sub3A_300 = vector.broadcast %sub3A_299 : f32 to vector<16xf32>
          %sub3A_301 = arith.subf %abs3A_298, %sub3A_300 : vector<16xf32>
          %max3A_302 = arith.maximumf %sub3A_293, %sub3A_297 : vector<16xf32>
          %max3A_303 = arith.maximumf %max3A_302, %sub3A_301 : vector<16xf32>
          %max3A_304 = arith.constant 0.000000e+00 : f32
          %max3A_305 = vector.broadcast %max3A_304 : f32 to vector<16xf32>
          %max3A_306 = arith.maximumf %sub3A_293, %max3A_305 : vector<16xf32>
          %max3A_307 = arith.constant 0.000000e+00 : f32
          %max3A_308 = vector.broadcast %max3A_307 : f32 to vector<16xf32>
          %max3A_309 = arith.maximumf %sub3A_297, %max3A_308 : vector<16xf32>
          %max3A_310 = arith.constant 0.000000e+00 : f32
          %max3A_311 = vector.broadcast %max3A_310 : f32 to vector<16xf32>
          %max3A_312 = arith.maximumf %sub3A_301, %max3A_311 : vector<16xf32>
          %mul3A_313 = arith.mulf %max3A_306, %max3A_306 : vector<16xf32>
          %mul3A_314 = arith.mulf %max3A_309, %max3A_309 : vector<16xf32>
          %add3A_315 = arith.addf %mul3A_313, %mul3A_314 : vector<16xf32>
          %mul3A_316 = arith.mulf %max3A_312, %max3A_312 : vector<16xf32>
          %add3A_317 = arith.addf %add3A_315, %mul3A_316 : vector<16xf32>
          %bitcast_convert_type3A_318 = tpu.bitcast %add3A_317 : vector<16xf32> -> vector<16xi32>
          %shift_right_arithmetic3A_319 = arith.constant 1 : i32
          %shift_right_arithmetic3A_320 = vector.broadcast %shift_right_arithmetic3A_319 : i32 to vector<16xi32>
          %shift_right_arithmetic3A_321 = arith.shrsi %bitcast_convert_type3A_318, %shift_right_arithmetic3A_320 : vector<16xi32>
          %sub3A_322 = vector.broadcast %scan3A_90 : i32 to vector<16xi32>
          %sub3A_323 = arith.subi %sub3A_322, %shift_right_arithmetic3A_321 : vector<16xi32>
          %bitcast_convert_type3A_324 = tpu.bitcast %sub3A_323 : vector<16xi32> -> vector<16xf32>
          %mul3A_325 = vector.broadcast %scan3A_91 : f32 to vector<16xf32>
          %mul3A_326 = arith.mulf %mul3A_325, %add3A_317 : vector<16xf32>
          %mul3A_327 = arith.mulf %mul3A_326, %bitcast_convert_type3A_324 : vector<16xf32>
          %mul3A_328 = arith.mulf %mul3A_327, %bitcast_convert_type3A_324 : vector<16xf32>
          %sub3A_329 = vector.broadcast %scan3A_92 : f32 to vector<16xf32>
          %sub3A_330 = arith.subf %sub3A_329, %mul3A_328 : vector<16xf32>
          %mul3A_331 = arith.mulf %bitcast_convert_type3A_324, %sub3A_330 : vector<16xf32>
          %mul3A_332 = arith.mulf %mul3A_326, %mul3A_331 : vector<16xf32>
          %mul3A_333 = arith.mulf %mul3A_332, %mul3A_331 : vector<16xf32>
          %sub3A_334 = vector.broadcast %scan3A_92 : f32 to vector<16xf32>
          %sub3A_335 = arith.subf %sub3A_334, %mul3A_333 : vector<16xf32>
          %mul3A_336 = arith.mulf %mul3A_331, %sub3A_335 : vector<16xf32>
          %mul3A_337 = arith.mulf %add3A_317, %mul3A_336 : vector<16xf32>
          %min3A_338 = arith.constant 0.000000e+00 : f32
          %min3A_339 = vector.broadcast %min3A_338 : f32 to vector<16xf32>
          %min3A_340 = arith.minimumf %max3A_303, %min3A_339 : vector<16xf32>
          %sub3A_341 = arith.subf %mul3A_337, %min3A_340 : vector<16xf32>
          %swap3A_342 = arith.index_cast %add3A_283 : i32 to index
          %swap3A_343 = tpu.vector_load %arg12[%swap3A_342] {strides = array<i32>} : memref<8000xf32, #tpu.memory_space<vmem>>, vector<16xf32>,
          tpu.vector_store %arg12[%swap3A_342], %sub3A_341 {strides = array<i32>} : memref<8000xf32, #tpu.memory_space<vmem>>, vector<16xf32>,
          %add3A_344 = arith.constant 64 : i32
          %add3A_345 = arith.addi %mul3A_103, %add3A_344 : i32
          %get3A_346 = arith.index_cast %add3A_345 : i32 to index
          %get3A_347 = tpu.vector_load %arg6[%get3A_346] {strides = array<i32>} : memref<8000xf32, #tpu.memory_space<vmem>>, vector<16xf32>,
          %get3A_348 = arith.index_cast %add3A_345 : i32 to index
          %get3A_349 = tpu.vector_load %arg7[%get3A_348] {strides = array<i32>} : memref<8000xf32, #tpu.memory_space<vmem>>, vector<16xf32>,
          %get3A_350 = arith.index_cast %add3A_345 : i32 to index
          %get3A_351 = tpu.vector_load %arg8[%get3A_350] {strides = array<i32>} : memref<8000xf32, #tpu.memory_space<vmem>>, vector<16xf32>,
          %abs3A_352 = math.absf %get3A_347 : vector<16xf32>
          %sub3A_353 = arith.constant 4.000000e-01 : f32
          %sub3A_354 = vector.broadcast %sub3A_353 : f32 to vector<16xf32>
          %sub3A_355 = arith.subf %abs3A_352, %sub3A_354 : vector<16xf32>
          %abs3A_356 = math.absf %get3A_349 : vector<16xf32>
          %sub3A_357 = arith.constant 4.000000e-01 : f32
          %sub3A_358 = vector.broadcast %sub3A_357 : f32 to vector<16xf32>
          %sub3A_359 = arith.subf %abs3A_356, %sub3A_358 : vector<16xf32>
          %abs3A_360 = math.absf %get3A_351 : vector<16xf32>
          %sub3A_361 = arith.constant 4.000000e-01 : f32
          %sub3A_362 = vector.broadcast %sub3A_361 : f32 to vector<16xf32>
          %sub3A_363 = arith.subf %abs3A_360, %sub3A_362 : vector<16xf32>
          %max3A_364 = arith.maximumf %sub3A_355, %sub3A_359 : vector<16xf32>
          %max3A_365 = arith.maximumf %max3A_364, %sub3A_363 : vector<16xf32>
          %max3A_366 = arith.constant 0.000000e+00 : f32
          %max3A_367 = vector.broadcast %max3A_366 : f32 to vector<16xf32>
          %max3A_368 = arith.maximumf %sub3A_355, %max3A_367 : vector<16xf32>
          %max3A_369 = arith.constant 0.000000e+00 : f32
          %max3A_370 = vector.broadcast %max3A_369 : f32 to vector<16xf32>
          %max3A_371 = arith.maximumf %sub3A_359, %max3A_370 : vector<16xf32>
          %max3A_372 = arith.constant 0.000000e+00 : f32
          %max3A_373 = vector.broadcast %max3A_372 : f32 to vector<16xf32>
          %max3A_374 = arith.maximumf %sub3A_363, %max3A_373 : vector<16xf32>
          %mul3A_375 = arith.mulf %max3A_368, %max3A_368 : vector<16xf32>
          %mul3A_376 = arith.mulf %max3A_371, %max3A_371 : vector<16xf32>
          %add3A_377 = arith.addf %mul3A_375, %mul3A_376 : vector<16xf32>
          %mul3A_378 = arith.mulf %max3A_374, %max3A_374 : vector<16xf32>
          %add3A_379 = arith.addf %add3A_377, %mul3A_378 : vector<16xf32>
          %bitcast_convert_type3A_380 = tpu.bitcast %add3A_379 : vector<16xf32> -> vector<16xi32>
          %shift_right_arithmetic3A_381 = arith.constant 1 : i32
          %shift_right_arithmetic3A_382 = vector.broadcast %shift_right_arithmetic3A_381 : i32 to vector<16xi32>
          %shift_right_arithmetic3A_383 = arith.shrsi %bitcast_convert_type3A_380, %shift_right_arithmetic3A_382 : vector<16xi32>
          %sub3A_384 = vector.broadcast %scan3A_90 : i32 to vector<16xi32>
          %sub3A_385 = arith.subi %sub3A_384, %shift_right_arithmetic3A_383 : vector<16xi32>
          %bitcast_convert_type3A_386 = tpu.bitcast %sub3A_385 : vector<16xi32> -> vector<16xf32>
          %mul3A_387 = vector.broadcast %scan3A_91 : f32 to vector<16xf32>
          %mul3A_388 = arith.mulf %mul3A_387, %add3A_379 : vector<16xf32>
          %mul3A_389 = arith.mulf %mul3A_388, %bitcast_convert_type3A_386 : vector<16xf32>
          %mul3A_390 = arith.mulf %mul3A_389, %bitcast_convert_type3A_386 : vector<16xf32>
          %sub3A_391 = vector.broadcast %scan3A_92 : f32 to vector<16xf32>
          %sub3A_392 = arith.subf %sub3A_391, %mul3A_390 : vector<16xf32>
          %mul3A_393 = arith.mulf %bitcast_convert_type3A_386, %sub3A_392 : vector<16xf32>
          %mul3A_394 = arith.mulf %mul3A_388, %mul3A_393 : vector<16xf32>
          %mul3A_395 = arith.mulf %mul3A_394, %mul3A_393 : vector<16xf32>
          %sub3A_396 = vector.broadcast %scan3A_92 : f32 to vector<16xf32>
          %sub3A_397 = arith.subf %sub3A_396, %mul3A_395 : vector<16xf32>
          %mul3A_398 = arith.mulf %mul3A_393, %sub3A_397 : vector<16xf32>
          %mul3A_399 = arith.mulf %add3A_379, %mul3A_398 : vector<16xf32>
          %min3A_400 = arith.constant 0.000000e+00 : f32
          %min3A_401 = vector.broadcast %min3A_400 : f32 to vector<16xf32>
          %min3A_402 = arith.minimumf %max3A_365, %min3A_401 : vector<16xf32>
          %sub3A_403 = arith.subf %mul3A_399, %min3A_402 : vector<16xf32>
          %swap3A_404 = arith.index_cast %add3A_345 : i32 to index
          %swap3A_405 = tpu.vector_load %arg12[%swap3A_404] {strides = array<i32>} : memref<8000xf32, #tpu.memory_space<vmem>>, vector<16xf32>,
          tpu.vector_store %arg12[%swap3A_404], %sub3A_403 {strides = array<i32>} : memref<8000xf32, #tpu.memory_space<vmem>>, vector<16xf32>,
        }
        %scan3A_97 = arith.constant 100 : i32
        %mul3A_98 = arith.constant 8000 : i32
        %mul3A_99 = arith.muli %add3A_31, %mul3A_98 : i32
        %dma_start3A = tpu.memref_slice %arg5[%mul3A_99] : memref<1000000xf32, #tpu.memory_space<hbm>> -> memref<8000xf32, #tpu.memory_space<hbm>>
        %dma_start3A_100 = tpu.memref_slice %arg5[%mul3A_99] : memref<1000000xf32, #tpu.memory_space<hbm>> -> memref<8000xf32, #tpu.memory_space<hbm>>
        tpu.enqueue_dma source(%arg12 : memref<8000xf32, #tpu.memory_space<vmem>>) target(%dma_start3A_100 : memref<8000xf32, #tpu.memory_space<hbm>>) target_semaphore(%arg16 : memref<!tpu.dma_semaphore, #tpu.memory_space<semaphore_mem>>)
      } else {
      }
      %add3A_37 = arith.constant 0 : i32
      %add3A_38 = arith.addi %mul3A_26, %add3A_37 : i32
      %add3A_39 = arith.constant 2 : i32
      %add3A_40 = arith.addi %add3A_38, %add3A_39 : i32
      %mul3A_41 = arith.constant 32 : i32
      %mul3A_42 = arith.muli %add3A_40, %mul3A_41 : i32
      %add3A_43 = arith.addi %add3A, %mul3A_42 : i32
      %lt3A_44 = arith.constant 125 : i32
      %lt3A_45 = arith.cmpi slt, %add3A_43, %lt3A_44 : i32
      %convert_element_type3A_46 = arith.extui %lt3A_45 : i1 to i32
      %cond3A_47 = arith.constant 0 : i32
      %cond3A_48 = arith.cmpi ne, %convert_element_type3A_46, %cond3A_47 : i32
      scf.if %cond3A_48 {
        %mul3A_71 = arith.constant 8000 : i32
        %mul3A_72 = arith.muli %add3A_43, %mul3A_71 : i32
        %dma_start3A = tpu.memref_slice %arg2[%mul3A_72] : memref<1000000xf32, #tpu.memory_space<hbm>> -> memref<8000xf32, #tpu.memory_space<hbm>>
        %dma_start3A_73 = tpu.memref_slice %arg2[%mul3A_72] : memref<1000000xf32, #tpu.memory_space<hbm>> -> memref<8000xf32, #tpu.memory_space<hbm>>
        tpu.enqueue_dma source(%dma_start3A_73 : memref<8000xf32, #tpu.memory_space<hbm>>) target(%arg6 : memref<8000xf32, #tpu.memory_space<vmem>>) target_semaphore(%arg14 : memref<!tpu.dma_semaphore, #tpu.memory_space<semaphore_mem>>)
        %mul3A_74 = arith.constant 8000 : i32
        %mul3A_75 = arith.muli %add3A_43, %mul3A_74 : i32
        %dma_start3A_76 = tpu.memref_slice %arg3[%mul3A_75] : memref<1000000xf32, #tpu.memory_space<hbm>> -> memref<8000xf32, #tpu.memory_space<hbm>>
        %dma_start3A_77 = tpu.memref_slice %arg3[%mul3A_75] : memref<1000000xf32, #tpu.memory_space<hbm>> -> memref<8000xf32, #tpu.memory_space<hbm>>
        tpu.enqueue_dma source(%dma_start3A_77 : memref<8000xf32, #tpu.memory_space<hbm>>) target(%arg7 : memref<8000xf32, #tpu.memory_space<vmem>>) target_semaphore(%arg14 : memref<!tpu.dma_semaphore, #tpu.memory_space<semaphore_mem>>)
        %mul3A_78 = arith.constant 8000 : i32
        %mul3A_79 = arith.muli %add3A_43, %mul3A_78 : i32
        %dma_start3A_80 = tpu.memref_slice %arg4[%mul3A_79] : memref<1000000xf32, #tpu.memory_space<hbm>> -> memref<8000xf32, #tpu.memory_space<hbm>>
        %dma_start3A_81 = tpu.memref_slice %arg4[%mul3A_79] : memref<1000000xf32, #tpu.memory_space<hbm>> -> memref<8000xf32, #tpu.memory_space<hbm>>
        tpu.enqueue_dma source(%dma_start3A_81 : memref<8000xf32, #tpu.memory_space<hbm>>) target(%arg8 : memref<8000xf32, #tpu.memory_space<vmem>>) target_semaphore(%arg14 : memref<!tpu.dma_semaphore, #tpu.memory_space<semaphore_mem>>)
      } else {
      }
      %add3A_49 = arith.constant 1 : i32
      %add3A_50 = arith.addi %mul3A_26, %add3A_49 : i32
      %mul3A_51 = arith.constant 32 : i32
      %mul3A_52 = arith.muli %add3A_50, %mul3A_51 : i32
      %add3A_53 = arith.addi %add3A, %mul3A_52 : i32
      %lt3A_54 = arith.constant 125 : i32
      %lt3A_55 = arith.cmpi slt, %add3A_53, %lt3A_54 : i32
      %convert_element_type3A_56 = arith.extui %lt3A_55 : i1 to i32
      %cond3A_57 = arith.constant 0 : i32
      %cond3A_58 = arith.cmpi ne, %convert_element_type3A_56, %cond3A_57 : i32
      scf.if %cond3A_58 {
        %add3A_71 = arith.constant 1 : i32
        %add3A_72 = arith.addi %mul3A_26, %add3A_71 : i32
        %ge3A = arith.constant 2 : i32
        %ge3A_73 = arith.cmpi sge, %add3A_72, %ge3A : i32
        %convert_element_type3A_74 = arith.extui %ge3A_73 : i1 to i32
        %cond3A_75 = arith.constant 0 : i32
        %cond3A_76 = arith.cmpi ne, %convert_element_type3A_74, %cond3A_75 : i32
        scf.if %cond3A_76 {
          %mul3A_101 = arith.constant 8000 : i32
          %mul3A_102 = arith.muli %add3A_53, %mul3A_101 : i32
          %dma_wait3A_103 = tpu.memref_slice %arg5[%mul3A_102] : memref<1000000xf32, #tpu.memory_space<hbm>> -> memref<8000xf32, #tpu.memory_space<hbm>>
          %dma_wait3A_104 = tpu.memref_slice %arg5[%mul3A_102] : memref<1000000xf32, #tpu.memory_space<hbm>> -> memref<8000xf32, #tpu.memory_space<hbm>>
          tpu.wait_dma2 semaphore(%arg17 : memref<!tpu.dma_semaphore, #tpu.memory_space<semaphore_mem>>) src(%arg13 : memref<8000xf32, #tpu.memory_space<vmem>>) dst(%dma_wait3A_104 : memref<8000xf32, #tpu.memory_space<hbm>>)
        } else {
        }
        %mul3A_77 = arith.constant 8000 : i32
        %mul3A_78 = arith.muli %add3A_53, %mul3A_77 : i32
        %dma_wait3A_79 = tpu.memref_slice %arg2[%mul3A_78] : memref<1000000xf32, #tpu.memory_space<hbm>> -> memref<8000xf32, #tpu.memory_space<hbm>>
        %dma_wait3A_80 = tpu.memref_slice %arg2[%mul3A_78] : memref<1000000xf32, #tpu.memory_space<hbm>> -> memref<8000xf32, #tpu.memory_space<hbm>>
        tpu.wait_dma2 semaphore(%arg15 : memref<!tpu.dma_semaphore, #tpu.memory_space<semaphore_mem>>) src(%dma_wait3A_80 : memref<8000xf32, #tpu.memory_space<hbm>>) dst(%arg9 : memref<8000xf32, #tpu.memory_space<vmem>>)
        %mul3A_81 = arith.constant 8000 : i32
        %mul3A_82 = arith.muli %add3A_53, %mul3A_81 : i32
        %dma_wait3A_83 = tpu.memref_slice %arg3[%mul3A_82] : memref<1000000xf32, #tpu.memory_space<hbm>> -> memref<8000xf32, #tpu.memory_space<hbm>>
        %dma_wait3A_84 = tpu.memref_slice %arg3[%mul3A_82] : memref<1000000xf32, #tpu.memory_space<hbm>> -> memref<8000xf32, #tpu.memory_space<hbm>>
        tpu.wait_dma2 semaphore(%arg15 : memref<!tpu.dma_semaphore, #tpu.memory_space<semaphore_mem>>) src(%dma_wait3A_84 : memref<8000xf32, #tpu.memory_space<hbm>>) dst(%arg10 : memref<8000xf32, #tpu.memory_space<vmem>>)
        %mul3A_85 = arith.constant 8000 : i32
        %mul3A_86 = arith.muli %add3A_53, %mul3A_85 : i32
        %dma_wait3A_87 = tpu.memref_slice %arg4[%mul3A_86] : memref<1000000xf32, #tpu.memory_space<hbm>> -> memref<8000xf32, #tpu.memory_space<hbm>>
        %dma_wait3A_88 = tpu.memref_slice %arg4[%mul3A_86] : memref<1000000xf32, #tpu.memory_space<hbm>> -> memref<8000xf32, #tpu.memory_space<hbm>>
        tpu.wait_dma2 semaphore(%arg15 : memref<!tpu.dma_semaphore, #tpu.memory_space<semaphore_mem>>) src(%dma_wait3A_88 : memref<8000xf32, #tpu.memory_space<hbm>>) dst(%arg11 : memref<8000xf32, #tpu.memory_space<vmem>>)
        %scan3A_89 = arith.constant 0 : i32
        %scan3A_90 = arith.constant 1597463007 : i32
        %scan3A_91 = arith.constant 5.000000e-01 : f32
        %scan3A_92 = arith.constant 1.500000e+00 : f32
        %scan3A_93 = arith.constant 0 : i32
        %scan3A_94 = arith.constant 100 : i32
        %scan3A_95 = arith.addi %scan3A_93, %scan3A_94 : i32
        %scan3A_96 = arith.constant 1 : i32
        scf.for %scan3A_101 = %scan3A_93 to %scan3A_95 step %scan3A_96  : i32 {
          %mul3A_102 = arith.constant 80 : i32
          %mul3A_103 = arith.muli %scan3A_101, %mul3A_102 : i32
          %add3A_104 = arith.constant 0 : i32
          %add3A_105 = arith.addi %mul3A_103, %add3A_104 : i32
          %get3A = arith.index_cast %add3A_105 : i32 to index
          %get3A_106 = tpu.vector_load %arg9[%get3A] {strides = array<i32>} : memref<8000xf32, #tpu.memory_space<vmem>>, vector<16xf32>,
          %get3A_107 = arith.index_cast %add3A_105 : i32 to index
          %get3A_108 = tpu.vector_load %arg10[%get3A_107] {strides = array<i32>} : memref<8000xf32, #tpu.memory_space<vmem>>, vector<16xf32>,
          %get3A_109 = arith.index_cast %add3A_105 : i32 to index
          %get3A_110 = tpu.vector_load %arg11[%get3A_109] {strides = array<i32>} : memref<8000xf32, #tpu.memory_space<vmem>>, vector<16xf32>,
          %abs3A = math.absf %get3A_106 : vector<16xf32>
          %sub3A = arith.constant 4.000000e-01 : f32
          %sub3A_111 = vector.broadcast %sub3A : f32 to vector<16xf32>
          %sub3A_112 = arith.subf %abs3A, %sub3A_111 : vector<16xf32>
          %abs3A_113 = math.absf %get3A_108 : vector<16xf32>
          %sub3A_114 = arith.constant 4.000000e-01 : f32
          %sub3A_115 = vector.broadcast %sub3A_114 : f32 to vector<16xf32>
          %sub3A_116 = arith.subf %abs3A_113, %sub3A_115 : vector<16xf32>
          %abs3A_117 = math.absf %get3A_110 : vector<16xf32>
          %sub3A_118 = arith.constant 4.000000e-01 : f32
          %sub3A_119 = vector.broadcast %sub3A_118 : f32 to vector<16xf32>
          %sub3A_120 = arith.subf %abs3A_117, %sub3A_119 : vector<16xf32>
          %max3A = arith.maximumf %sub3A_112, %sub3A_116 : vector<16xf32>
          %max3A_121 = arith.maximumf %max3A, %sub3A_120 : vector<16xf32>
          %max3A_122 = arith.constant 0.000000e+00 : f32
          %max3A_123 = vector.broadcast %max3A_122 : f32 to vector<16xf32>
          %max3A_124 = arith.maximumf %sub3A_112, %max3A_123 : vector<16xf32>
          %max3A_125 = arith.constant 0.000000e+00 : f32
          %max3A_126 = vector.broadcast %max3A_125 : f32 to vector<16xf32>
          %max3A_127 = arith.maximumf %sub3A_116, %max3A_126 : vector<16xf32>
          %max3A_128 = arith.constant 0.000000e+00 : f32
          %max3A_129 = vector.broadcast %max3A_128 : f32 to vector<16xf32>
          %max3A_130 = arith.maximumf %sub3A_120, %max3A_129 : vector<16xf32>
          %mul3A_131 = arith.mulf %max3A_124, %max3A_124 : vector<16xf32>
          %mul3A_132 = arith.mulf %max3A_127, %max3A_127 : vector<16xf32>
          %add3A_133 = arith.addf %mul3A_131, %mul3A_132 : vector<16xf32>
          %mul3A_134 = arith.mulf %max3A_130, %max3A_130 : vector<16xf32>
          %add3A_135 = arith.addf %add3A_133, %mul3A_134 : vector<16xf32>
          %bitcast_convert_type3A = tpu.bitcast %add3A_135 : vector<16xf32> -> vector<16xi32>
          %shift_right_arithmetic3A = arith.constant 1 : i32
          %shift_right_arithmetic3A_136 = vector.broadcast %shift_right_arithmetic3A : i32 to vector<16xi32>
          %shift_right_arithmetic3A_137 = arith.shrsi %bitcast_convert_type3A, %shift_right_arithmetic3A_136 : vector<16xi32>
          %sub3A_138 = vector.broadcast %scan3A_90 : i32 to vector<16xi32>
          %sub3A_139 = arith.subi %sub3A_138, %shift_right_arithmetic3A_137 : vector<16xi32>
          %bitcast_convert_type3A_140 = tpu.bitcast %sub3A_139 : vector<16xi32> -> vector<16xf32>
          %mul3A_141 = vector.broadcast %scan3A_91 : f32 to vector<16xf32>
          %mul3A_142 = arith.mulf %mul3A_141, %add3A_135 : vector<16xf32>
          %mul3A_143 = arith.mulf %mul3A_142, %bitcast_convert_type3A_140 : vector<16xf32>
          %mul3A_144 = arith.mulf %mul3A_143, %bitcast_convert_type3A_140 : vector<16xf32>
          %sub3A_145 = vector.broadcast %scan3A_92 : f32 to vector<16xf32>
          %sub3A_146 = arith.subf %sub3A_145, %mul3A_144 : vector<16xf32>
          %mul3A_147 = arith.mulf %bitcast_convert_type3A_140, %sub3A_146 : vector<16xf32>
          %mul3A_148 = arith.mulf %mul3A_142, %mul3A_147 : vector<16xf32>
          %mul3A_149 = arith.mulf %mul3A_148, %mul3A_147 : vector<16xf32>
          %sub3A_150 = vector.broadcast %scan3A_92 : f32 to vector<16xf32>
          %sub3A_151 = arith.subf %sub3A_150, %mul3A_149 : vector<16xf32>
          %mul3A_152 = arith.mulf %mul3A_147, %sub3A_151 : vector<16xf32>
          %mul3A_153 = arith.mulf %add3A_135, %mul3A_152 : vector<16xf32>
          %min3A = arith.constant 0.000000e+00 : f32
          %min3A_154 = vector.broadcast %min3A : f32 to vector<16xf32>
          %min3A_155 = arith.minimumf %max3A_121, %min3A_154 : vector<16xf32>
          %sub3A_156 = arith.subf %mul3A_153, %min3A_155 : vector<16xf32>
          %swap3A = arith.index_cast %add3A_105 : i32 to index
          %swap3A_157 = tpu.vector_load %arg13[%swap3A] {strides = array<i32>} : memref<8000xf32, #tpu.memory_space<vmem>>, vector<16xf32>,
          tpu.vector_store %arg13[%swap3A], %sub3A_156 {strides = array<i32>} : memref<8000xf32, #tpu.memory_space<vmem>>, vector<16xf32>,
          %add3A_158 = arith.constant 16 : i32
          %add3A_159 = arith.addi %mul3A_103, %add3A_158 : i32
          %get3A_160 = arith.index_cast %add3A_159 : i32 to index
          %get3A_161 = tpu.vector_load %arg9[%get3A_160] {strides = array<i32>} : memref<8000xf32, #tpu.memory_space<vmem>>, vector<16xf32>,
          %get3A_162 = arith.index_cast %add3A_159 : i32 to index
          %get3A_163 = tpu.vector_load %arg10[%get3A_162] {strides = array<i32>} : memref<8000xf32, #tpu.memory_space<vmem>>, vector<16xf32>,
          %get3A_164 = arith.index_cast %add3A_159 : i32 to index
          %get3A_165 = tpu.vector_load %arg11[%get3A_164] {strides = array<i32>} : memref<8000xf32, #tpu.memory_space<vmem>>, vector<16xf32>,
          %abs3A_166 = math.absf %get3A_161 : vector<16xf32>
          %sub3A_167 = arith.constant 4.000000e-01 : f32
          %sub3A_168 = vector.broadcast %sub3A_167 : f32 to vector<16xf32>
          %sub3A_169 = arith.subf %abs3A_166, %sub3A_168 : vector<16xf32>
          %abs3A_170 = math.absf %get3A_163 : vector<16xf32>
          %sub3A_171 = arith.constant 4.000000e-01 : f32
          %sub3A_172 = vector.broadcast %sub3A_171 : f32 to vector<16xf32>
          %sub3A_173 = arith.subf %abs3A_170, %sub3A_172 : vector<16xf32>
          %abs3A_174 = math.absf %get3A_165 : vector<16xf32>
          %sub3A_175 = arith.constant 4.000000e-01 : f32
          %sub3A_176 = vector.broadcast %sub3A_175 : f32 to vector<16xf32>
          %sub3A_177 = arith.subf %abs3A_174, %sub3A_176 : vector<16xf32>
          %max3A_178 = arith.maximumf %sub3A_169, %sub3A_173 : vector<16xf32>
          %max3A_179 = arith.maximumf %max3A_178, %sub3A_177 : vector<16xf32>
          %max3A_180 = arith.constant 0.000000e+00 : f32
          %max3A_181 = vector.broadcast %max3A_180 : f32 to vector<16xf32>
          %max3A_182 = arith.maximumf %sub3A_169, %max3A_181 : vector<16xf32>
          %max3A_183 = arith.constant 0.000000e+00 : f32
          %max3A_184 = vector.broadcast %max3A_183 : f32 to vector<16xf32>
          %max3A_185 = arith.maximumf %sub3A_173, %max3A_184 : vector<16xf32>
          %max3A_186 = arith.constant 0.000000e+00 : f32
          %max3A_187 = vector.broadcast %max3A_186 : f32 to vector<16xf32>
          %max3A_188 = arith.maximumf %sub3A_177, %max3A_187 : vector<16xf32>
          %mul3A_189 = arith.mulf %max3A_182, %max3A_182 : vector<16xf32>
          %mul3A_190 = arith.mulf %max3A_185, %max3A_185 : vector<16xf32>
          %add3A_191 = arith.addf %mul3A_189, %mul3A_190 : vector<16xf32>
          %mul3A_192 = arith.mulf %max3A_188, %max3A_188 : vector<16xf32>
          %add3A_193 = arith.addf %add3A_191, %mul3A_192 : vector<16xf32>
          %bitcast_convert_type3A_194 = tpu.bitcast %add3A_193 : vector<16xf32> -> vector<16xi32>
          %shift_right_arithmetic3A_195 = arith.constant 1 : i32
          %shift_right_arithmetic3A_196 = vector.broadcast %shift_right_arithmetic3A_195 : i32 to vector<16xi32>
          %shift_right_arithmetic3A_197 = arith.shrsi %bitcast_convert_type3A_194, %shift_right_arithmetic3A_196 : vector<16xi32>
          %sub3A_198 = vector.broadcast %scan3A_90 : i32 to vector<16xi32>
          %sub3A_199 = arith.subi %sub3A_198, %shift_right_arithmetic3A_197 : vector<16xi32>
          %bitcast_convert_type3A_200 = tpu.bitcast %sub3A_199 : vector<16xi32> -> vector<16xf32>
          %mul3A_201 = vector.broadcast %scan3A_91 : f32 to vector<16xf32>
          %mul3A_202 = arith.mulf %mul3A_201, %add3A_193 : vector<16xf32>
          %mul3A_203 = arith.mulf %mul3A_202, %bitcast_convert_type3A_200 : vector<16xf32>
          %mul3A_204 = arith.mulf %mul3A_203, %bitcast_convert_type3A_200 : vector<16xf32>
          %sub3A_205 = vector.broadcast %scan3A_92 : f32 to vector<16xf32>
          %sub3A_206 = arith.subf %sub3A_205, %mul3A_204 : vector<16xf32>
          %mul3A_207 = arith.mulf %bitcast_convert_type3A_200, %sub3A_206 : vector<16xf32>
          %mul3A_208 = arith.mulf %mul3A_202, %mul3A_207 : vector<16xf32>
          %mul3A_209 = arith.mulf %mul3A_208, %mul3A_207 : vector<16xf32>
          %sub3A_210 = vector.broadcast %scan3A_92 : f32 to vector<16xf32>
          %sub3A_211 = arith.subf %sub3A_210, %mul3A_209 : vector<16xf32>
          %mul3A_212 = arith.mulf %mul3A_207, %sub3A_211 : vector<16xf32>
          %mul3A_213 = arith.mulf %add3A_193, %mul3A_212 : vector<16xf32>
          %min3A_214 = arith.constant 0.000000e+00 : f32
          %min3A_215 = vector.broadcast %min3A_214 : f32 to vector<16xf32>
          %min3A_216 = arith.minimumf %max3A_179, %min3A_215 : vector<16xf32>
          %sub3A_217 = arith.subf %mul3A_213, %min3A_216 : vector<16xf32>
          %swap3A_218 = arith.index_cast %add3A_159 : i32 to index
          %swap3A_219 = tpu.vector_load %arg13[%swap3A_218] {strides = array<i32>} : memref<8000xf32, #tpu.memory_space<vmem>>, vector<16xf32>,
          tpu.vector_store %arg13[%swap3A_218], %sub3A_217 {strides = array<i32>} : memref<8000xf32, #tpu.memory_space<vmem>>, vector<16xf32>,
          %add3A_220 = arith.constant 32 : i32
          %add3A_221 = arith.addi %mul3A_103, %add3A_220 : i32
          %get3A_222 = arith.index_cast %add3A_221 : i32 to index
          %get3A_223 = tpu.vector_load %arg9[%get3A_222] {strides = array<i32>} : memref<8000xf32, #tpu.memory_space<vmem>>, vector<16xf32>,
          %get3A_224 = arith.index_cast %add3A_221 : i32 to index
          %get3A_225 = tpu.vector_load %arg10[%get3A_224] {strides = array<i32>} : memref<8000xf32, #tpu.memory_space<vmem>>, vector<16xf32>,
          %get3A_226 = arith.index_cast %add3A_221 : i32 to index
          %get3A_227 = tpu.vector_load %arg11[%get3A_226] {strides = array<i32>} : memref<8000xf32, #tpu.memory_space<vmem>>, vector<16xf32>,
          %abs3A_228 = math.absf %get3A_223 : vector<16xf32>
          %sub3A_229 = arith.constant 4.000000e-01 : f32
          %sub3A_230 = vector.broadcast %sub3A_229 : f32 to vector<16xf32>
          %sub3A_231 = arith.subf %abs3A_228, %sub3A_230 : vector<16xf32>
          %abs3A_232 = math.absf %get3A_225 : vector<16xf32>
          %sub3A_233 = arith.constant 4.000000e-01 : f32
          %sub3A_234 = vector.broadcast %sub3A_233 : f32 to vector<16xf32>
          %sub3A_235 = arith.subf %abs3A_232, %sub3A_234 : vector<16xf32>
          %abs3A_236 = math.absf %get3A_227 : vector<16xf32>
          %sub3A_237 = arith.constant 4.000000e-01 : f32
          %sub3A_238 = vector.broadcast %sub3A_237 : f32 to vector<16xf32>
          %sub3A_239 = arith.subf %abs3A_236, %sub3A_238 : vector<16xf32>
          %max3A_240 = arith.maximumf %sub3A_231, %sub3A_235 : vector<16xf32>
          %max3A_241 = arith.maximumf %max3A_240, %sub3A_239 : vector<16xf32>
          %max3A_242 = arith.constant 0.000000e+00 : f32
          %max3A_243 = vector.broadcast %max3A_242 : f32 to vector<16xf32>
          %max3A_244 = arith.maximumf %sub3A_231, %max3A_243 : vector<16xf32>
          %max3A_245 = arith.constant 0.000000e+00 : f32
          %max3A_246 = vector.broadcast %max3A_245 : f32 to vector<16xf32>
          %max3A_247 = arith.maximumf %sub3A_235, %max3A_246 : vector<16xf32>
          %max3A_248 = arith.constant 0.000000e+00 : f32
          %max3A_249 = vector.broadcast %max3A_248 : f32 to vector<16xf32>
          %max3A_250 = arith.maximumf %sub3A_239, %max3A_249 : vector<16xf32>
          %mul3A_251 = arith.mulf %max3A_244, %max3A_244 : vector<16xf32>
          %mul3A_252 = arith.mulf %max3A_247, %max3A_247 : vector<16xf32>
          %add3A_253 = arith.addf %mul3A_251, %mul3A_252 : vector<16xf32>
          %mul3A_254 = arith.mulf %max3A_250, %max3A_250 : vector<16xf32>
          %add3A_255 = arith.addf %add3A_253, %mul3A_254 : vector<16xf32>
          %bitcast_convert_type3A_256 = tpu.bitcast %add3A_255 : vector<16xf32> -> vector<16xi32>
          %shift_right_arithmetic3A_257 = arith.constant 1 : i32
          %shift_right_arithmetic3A_258 = vector.broadcast %shift_right_arithmetic3A_257 : i32 to vector<16xi32>
          %shift_right_arithmetic3A_259 = arith.shrsi %bitcast_convert_type3A_256, %shift_right_arithmetic3A_258 : vector<16xi32>
          %sub3A_260 = vector.broadcast %scan3A_90 : i32 to vector<16xi32>
          %sub3A_261 = arith.subi %sub3A_260, %shift_right_arithmetic3A_259 : vector<16xi32>
          %bitcast_convert_type3A_262 = tpu.bitcast %sub3A_261 : vector<16xi32> -> vector<16xf32>
          %mul3A_263 = vector.broadcast %scan3A_91 : f32 to vector<16xf32>
          %mul3A_264 = arith.mulf %mul3A_263, %add3A_255 : vector<16xf32>
          %mul3A_265 = arith.mulf %mul3A_264, %bitcast_convert_type3A_262 : vector<16xf32>
          %mul3A_266 = arith.mulf %mul3A_265, %bitcast_convert_type3A_262 : vector<16xf32>
          %sub3A_267 = vector.broadcast %scan3A_92 : f32 to vector<16xf32>
          %sub3A_268 = arith.subf %sub3A_267, %mul3A_266 : vector<16xf32>
          %mul3A_269 = arith.mulf %bitcast_convert_type3A_262, %sub3A_268 : vector<16xf32>
          %mul3A_270 = arith.mulf %mul3A_264, %mul3A_269 : vector<16xf32>
          %mul3A_271 = arith.mulf %mul3A_270, %mul3A_269 : vector<16xf32>
          %sub3A_272 = vector.broadcast %scan3A_92 : f32 to vector<16xf32>
          %sub3A_273 = arith.subf %sub3A_272, %mul3A_271 : vector<16xf32>
          %mul3A_274 = arith.mulf %mul3A_269, %sub3A_273 : vector<16xf32>
          %mul3A_275 = arith.mulf %add3A_255, %mul3A_274 : vector<16xf32>
          %min3A_276 = arith.constant 0.000000e+00 : f32
          %min3A_277 = vector.broadcast %min3A_276 : f32 to vector<16xf32>
          %min3A_278 = arith.minimumf %max3A_241, %min3A_277 : vector<16xf32>
          %sub3A_279 = arith.subf %mul3A_275, %min3A_278 : vector<16xf32>
          %swap3A_280 = arith.index_cast %add3A_221 : i32 to index
          %swap3A_281 = tpu.vector_load %arg13[%swap3A_280] {strides = array<i32>} : memref<8000xf32, #tpu.memory_space<vmem>>, vector<16xf32>,
          tpu.vector_store %arg13[%swap3A_280], %sub3A_279 {strides = array<i32>} : memref<8000xf32, #tpu.memory_space<vmem>>, vector<16xf32>,
          %add3A_282 = arith.constant 48 : i32
          %add3A_283 = arith.addi %mul3A_103, %add3A_282 : i32
          %get3A_284 = arith.index_cast %add3A_283 : i32 to index
          %get3A_285 = tpu.vector_load %arg9[%get3A_284] {strides = array<i32>} : memref<8000xf32, #tpu.memory_space<vmem>>, vector<16xf32>,
          %get3A_286 = arith.index_cast %add3A_283 : i32 to index
          %get3A_287 = tpu.vector_load %arg10[%get3A_286] {strides = array<i32>} : memref<8000xf32, #tpu.memory_space<vmem>>, vector<16xf32>,
          %get3A_288 = arith.index_cast %add3A_283 : i32 to index
          %get3A_289 = tpu.vector_load %arg11[%get3A_288] {strides = array<i32>} : memref<8000xf32, #tpu.memory_space<vmem>>, vector<16xf32>,
          %abs3A_290 = math.absf %get3A_285 : vector<16xf32>
          %sub3A_291 = arith.constant 4.000000e-01 : f32
          %sub3A_292 = vector.broadcast %sub3A_291 : f32 to vector<16xf32>
          %sub3A_293 = arith.subf %abs3A_290, %sub3A_292 : vector<16xf32>
          %abs3A_294 = math.absf %get3A_287 : vector<16xf32>
          %sub3A_295 = arith.constant 4.000000e-01 : f32
          %sub3A_296 = vector.broadcast %sub3A_295 : f32 to vector<16xf32>
          %sub3A_297 = arith.subf %abs3A_294, %sub3A_296 : vector<16xf32>
          %abs3A_298 = math.absf %get3A_289 : vector<16xf32>
          %sub3A_299 = arith.constant 4.000000e-01 : f32
          %sub3A_300 = vector.broadcast %sub3A_299 : f32 to vector<16xf32>
          %sub3A_301 = arith.subf %abs3A_298, %sub3A_300 : vector<16xf32>
          %max3A_302 = arith.maximumf %sub3A_293, %sub3A_297 : vector<16xf32>
          %max3A_303 = arith.maximumf %max3A_302, %sub3A_301 : vector<16xf32>
          %max3A_304 = arith.constant 0.000000e+00 : f32
          %max3A_305 = vector.broadcast %max3A_304 : f32 to vector<16xf32>
          %max3A_306 = arith.maximumf %sub3A_293, %max3A_305 : vector<16xf32>
          %max3A_307 = arith.constant 0.000000e+00 : f32
          %max3A_308 = vector.broadcast %max3A_307 : f32 to vector<16xf32>
          %max3A_309 = arith.maximumf %sub3A_297, %max3A_308 : vector<16xf32>
          %max3A_310 = arith.constant 0.000000e+00 : f32
          %max3A_311 = vector.broadcast %max3A_310 : f32 to vector<16xf32>
          %max3A_312 = arith.maximumf %sub3A_301, %max3A_311 : vector<16xf32>
          %mul3A_313 = arith.mulf %max3A_306, %max3A_306 : vector<16xf32>
          %mul3A_314 = arith.mulf %max3A_309, %max3A_309 : vector<16xf32>
          %add3A_315 = arith.addf %mul3A_313, %mul3A_314 : vector<16xf32>
          %mul3A_316 = arith.mulf %max3A_312, %max3A_312 : vector<16xf32>
          %add3A_317 = arith.addf %add3A_315, %mul3A_316 : vector<16xf32>
          %bitcast_convert_type3A_318 = tpu.bitcast %add3A_317 : vector<16xf32> -> vector<16xi32>
          %shift_right_arithmetic3A_319 = arith.constant 1 : i32
          %shift_right_arithmetic3A_320 = vector.broadcast %shift_right_arithmetic3A_319 : i32 to vector<16xi32>
          %shift_right_arithmetic3A_321 = arith.shrsi %bitcast_convert_type3A_318, %shift_right_arithmetic3A_320 : vector<16xi32>
          %sub3A_322 = vector.broadcast %scan3A_90 : i32 to vector<16xi32>
          %sub3A_323 = arith.subi %sub3A_322, %shift_right_arithmetic3A_321 : vector<16xi32>
          %bitcast_convert_type3A_324 = tpu.bitcast %sub3A_323 : vector<16xi32> -> vector<16xf32>
          %mul3A_325 = vector.broadcast %scan3A_91 : f32 to vector<16xf32>
          %mul3A_326 = arith.mulf %mul3A_325, %add3A_317 : vector<16xf32>
          %mul3A_327 = arith.mulf %mul3A_326, %bitcast_convert_type3A_324 : vector<16xf32>
          %mul3A_328 = arith.mulf %mul3A_327, %bitcast_convert_type3A_324 : vector<16xf32>
          %sub3A_329 = vector.broadcast %scan3A_92 : f32 to vector<16xf32>
          %sub3A_330 = arith.subf %sub3A_329, %mul3A_328 : vector<16xf32>
          %mul3A_331 = arith.mulf %bitcast_convert_type3A_324, %sub3A_330 : vector<16xf32>
          %mul3A_332 = arith.mulf %mul3A_326, %mul3A_331 : vector<16xf32>
          %mul3A_333 = arith.mulf %mul3A_332, %mul3A_331 : vector<16xf32>
          %sub3A_334 = vector.broadcast %scan3A_92 : f32 to vector<16xf32>
          %sub3A_335 = arith.subf %sub3A_334, %mul3A_333 : vector<16xf32>
          %mul3A_336 = arith.mulf %mul3A_331, %sub3A_335 : vector<16xf32>
          %mul3A_337 = arith.mulf %add3A_317, %mul3A_336 : vector<16xf32>
          %min3A_338 = arith.constant 0.000000e+00 : f32
          %min3A_339 = vector.broadcast %min3A_338 : f32 to vector<16xf32>
          %min3A_340 = arith.minimumf %max3A_303, %min3A_339 : vector<16xf32>
          %sub3A_341 = arith.subf %mul3A_337, %min3A_340 : vector<16xf32>
          %swap3A_342 = arith.index_cast %add3A_283 : i32 to index
          %swap3A_343 = tpu.vector_load %arg13[%swap3A_342] {strides = array<i32>} : memref<8000xf32, #tpu.memory_space<vmem>>, vector<16xf32>,
          tpu.vector_store %arg13[%swap3A_342], %sub3A_341 {strides = array<i32>} : memref<8000xf32, #tpu.memory_space<vmem>>, vector<16xf32>,
          %add3A_344 = arith.constant 64 : i32
          %add3A_345 = arith.addi %mul3A_103, %add3A_344 : i32
          %get3A_346 = arith.index_cast %add3A_345 : i32 to index
          %get3A_347 = tpu.vector_load %arg9[%get3A_346] {strides = array<i32>} : memref<8000xf32, #tpu.memory_space<vmem>>, vector<16xf32>,
          %get3A_348 = arith.index_cast %add3A_345 : i32 to index
          %get3A_349 = tpu.vector_load %arg10[%get3A_348] {strides = array<i32>} : memref<8000xf32, #tpu.memory_space<vmem>>, vector<16xf32>,
          %get3A_350 = arith.index_cast %add3A_345 : i32 to index
          %get3A_351 = tpu.vector_load %arg11[%get3A_350] {strides = array<i32>} : memref<8000xf32, #tpu.memory_space<vmem>>, vector<16xf32>,
          %abs3A_352 = math.absf %get3A_347 : vector<16xf32>
          %sub3A_353 = arith.constant 4.000000e-01 : f32
          %sub3A_354 = vector.broadcast %sub3A_353 : f32 to vector<16xf32>
          %sub3A_355 = arith.subf %abs3A_352, %sub3A_354 : vector<16xf32>
          %abs3A_356 = math.absf %get3A_349 : vector<16xf32>
          %sub3A_357 = arith.constant 4.000000e-01 : f32
          %sub3A_358 = vector.broadcast %sub3A_357 : f32 to vector<16xf32>
          %sub3A_359 = arith.subf %abs3A_356, %sub3A_358 : vector<16xf32>
          %abs3A_360 = math.absf %get3A_351 : vector<16xf32>
          %sub3A_361 = arith.constant 4.000000e-01 : f32
          %sub3A_362 = vector.broadcast %sub3A_361 : f32 to vector<16xf32>
          %sub3A_363 = arith.subf %abs3A_360, %sub3A_362 : vector<16xf32>
          %max3A_364 = arith.maximumf %sub3A_355, %sub3A_359 : vector<16xf32>
          %max3A_365 = arith.maximumf %max3A_364, %sub3A_363 : vector<16xf32>
          %max3A_366 = arith.constant 0.000000e+00 : f32
          %max3A_367 = vector.broadcast %max3A_366 : f32 to vector<16xf32>
          %max3A_368 = arith.maximumf %sub3A_355, %max3A_367 : vector<16xf32>
          %max3A_369 = arith.constant 0.000000e+00 : f32
          %max3A_370 = vector.broadcast %max3A_369 : f32 to vector<16xf32>
          %max3A_371 = arith.maximumf %sub3A_359, %max3A_370 : vector<16xf32>
          %max3A_372 = arith.constant 0.000000e+00 : f32
          %max3A_373 = vector.broadcast %max3A_372 : f32 to vector<16xf32>
          %max3A_374 = arith.maximumf %sub3A_363, %max3A_373 : vector<16xf32>
          %mul3A_375 = arith.mulf %max3A_368, %max3A_368 : vector<16xf32>
          %mul3A_376 = arith.mulf %max3A_371, %max3A_371 : vector<16xf32>
          %add3A_377 = arith.addf %mul3A_375, %mul3A_376 : vector<16xf32>
          %mul3A_378 = arith.mulf %max3A_374, %max3A_374 : vector<16xf32>
          %add3A_379 = arith.addf %add3A_377, %mul3A_378 : vector<16xf32>
          %bitcast_convert_type3A_380 = tpu.bitcast %add3A_379 : vector<16xf32> -> vector<16xi32>
          %shift_right_arithmetic3A_381 = arith.constant 1 : i32
          %shift_right_arithmetic3A_382 = vector.broadcast %shift_right_arithmetic3A_381 : i32 to vector<16xi32>
          %shift_right_arithmetic3A_383 = arith.shrsi %bitcast_convert_type3A_380, %shift_right_arithmetic3A_382 : vector<16xi32>
          %sub3A_384 = vector.broadcast %scan3A_90 : i32 to vector<16xi32>
          %sub3A_385 = arith.subi %sub3A_384, %shift_right_arithmetic3A_383 : vector<16xi32>
          %bitcast_convert_type3A_386 = tpu.bitcast %sub3A_385 : vector<16xi32> -> vector<16xf32>
          %mul3A_387 = vector.broadcast %scan3A_91 : f32 to vector<16xf32>
          %mul3A_388 = arith.mulf %mul3A_387, %add3A_379 : vector<16xf32>
          %mul3A_389 = arith.mulf %mul3A_388, %bitcast_convert_type3A_386 : vector<16xf32>
          %mul3A_390 = arith.mulf %mul3A_389, %bitcast_convert_type3A_386 : vector<16xf32>
          %sub3A_391 = vector.broadcast %scan3A_92 : f32 to vector<16xf32>
          %sub3A_392 = arith.subf %sub3A_391, %mul3A_390 : vector<16xf32>
          %mul3A_393 = arith.mulf %bitcast_convert_type3A_386, %sub3A_392 : vector<16xf32>
          %mul3A_394 = arith.mulf %mul3A_388, %mul3A_393 : vector<16xf32>
          %mul3A_395 = arith.mulf %mul3A_394, %mul3A_393 : vector<16xf32>
          %sub3A_396 = vector.broadcast %scan3A_92 : f32 to vector<16xf32>
          %sub3A_397 = arith.subf %sub3A_396, %mul3A_395 : vector<16xf32>
          %mul3A_398 = arith.mulf %mul3A_393, %sub3A_397 : vector<16xf32>
          %mul3A_399 = arith.mulf %add3A_379, %mul3A_398 : vector<16xf32>
          %min3A_400 = arith.constant 0.000000e+00 : f32
          %min3A_401 = vector.broadcast %min3A_400 : f32 to vector<16xf32>
          %min3A_402 = arith.minimumf %max3A_365, %min3A_401 : vector<16xf32>
          %sub3A_403 = arith.subf %mul3A_399, %min3A_402 : vector<16xf32>
          %swap3A_404 = arith.index_cast %add3A_345 : i32 to index
          %swap3A_405 = tpu.vector_load %arg13[%swap3A_404] {strides = array<i32>} : memref<8000xf32, #tpu.memory_space<vmem>>, vector<16xf32>,
          tpu.vector_store %arg13[%swap3A_404], %sub3A_403 {strides = array<i32>} : memref<8000xf32, #tpu.memory_space<vmem>>, vector<16xf32>,
        }
        %scan3A_97 = arith.constant 100 : i32
        %mul3A_98 = arith.constant 8000 : i32
        %mul3A_99 = arith.muli %add3A_53, %mul3A_98 : i32
        %dma_start3A = tpu.memref_slice %arg5[%mul3A_99] : memref<1000000xf32, #tpu.memory_space<hbm>> -> memref<8000xf32, #tpu.memory_space<hbm>>
        %dma_start3A_100 = tpu.memref_slice %arg5[%mul3A_99] : memref<1000000xf32, #tpu.memory_space<hbm>> -> memref<8000xf32, #tpu.memory_space<hbm>>
        tpu.enqueue_dma source(%arg13 : memref<8000xf32, #tpu.memory_space<vmem>>) target(%dma_start3A_100 : memref<8000xf32, #tpu.memory_space<hbm>>) target_semaphore(%arg17 : memref<!tpu.dma_semaphore, #tpu.memory_space<semaphore_mem>>)
      } else {
      }
      %add3A_59 = arith.constant 1 : i32
      %add3A_60 = arith.addi %mul3A_26, %add3A_59 : i32
      %add3A_61 = arith.constant 2 : i32
      %add3A_62 = arith.addi %add3A_60, %add3A_61 : i32
      %mul3A_63 = arith.constant 32 : i32
      %mul3A_64 = arith.muli %add3A_62, %mul3A_63 : i32
      %add3A_65 = arith.addi %add3A, %mul3A_64 : i32
      %lt3A_66 = arith.constant 125 : i32
      %lt3A_67 = arith.cmpi slt, %add3A_65, %lt3A_66 : i32
      %convert_element_type3A_68 = arith.extui %lt3A_67 : i1 to i32
      %cond3A_69 = arith.constant 0 : i32
      %cond3A_70 = arith.cmpi ne, %convert_element_type3A_68, %cond3A_69 : i32
      scf.if %cond3A_70 {
        %mul3A_71 = arith.constant 8000 : i32
        %mul3A_72 = arith.muli %add3A_65, %mul3A_71 : i32
        %dma_start3A = tpu.memref_slice %arg2[%mul3A_72] : memref<1000000xf32, #tpu.memory_space<hbm>> -> memref<8000xf32, #tpu.memory_space<hbm>>
        %dma_start3A_73 = tpu.memref_slice %arg2[%mul3A_72] : memref<1000000xf32, #tpu.memory_space<hbm>> -> memref<8000xf32, #tpu.memory_space<hbm>>
        tpu.enqueue_dma source(%dma_start3A_73 : memref<8000xf32, #tpu.memory_space<hbm>>) target(%arg9 : memref<8000xf32, #tpu.memory_space<vmem>>) target_semaphore(%arg15 : memref<!tpu.dma_semaphore, #tpu.memory_space<semaphore_mem>>)
        %mul3A_74 = arith.constant 8000 : i32
        %mul3A_75 = arith.muli %add3A_65, %mul3A_74 : i32
        %dma_start3A_76 = tpu.memref_slice %arg3[%mul3A_75] : memref<1000000xf32, #tpu.memory_space<hbm>> -> memref<8000xf32, #tpu.memory_space<hbm>>
        %dma_start3A_77 = tpu.memref_slice %arg3[%mul3A_75] : memref<1000000xf32, #tpu.memory_space<hbm>> -> memref<8000xf32, #tpu.memory_space<hbm>>
        tpu.enqueue_dma source(%dma_start3A_77 : memref<8000xf32, #tpu.memory_space<hbm>>) target(%arg10 : memref<8000xf32, #tpu.memory_space<vmem>>) target_semaphore(%arg15 : memref<!tpu.dma_semaphore, #tpu.memory_space<semaphore_mem>>)
        %mul3A_78 = arith.constant 8000 : i32
        %mul3A_79 = arith.muli %add3A_65, %mul3A_78 : i32
        %dma_start3A_80 = tpu.memref_slice %arg4[%mul3A_79] : memref<1000000xf32, #tpu.memory_space<hbm>> -> memref<8000xf32, #tpu.memory_space<hbm>>
        %dma_start3A_81 = tpu.memref_slice %arg4[%mul3A_79] : memref<1000000xf32, #tpu.memory_space<hbm>> -> memref<8000xf32, #tpu.memory_space<hbm>>
        tpu.enqueue_dma source(%dma_start3A_81 : memref<8000xf32, #tpu.memory_space<hbm>>) target(%arg11 : memref<8000xf32, #tpu.memory_space<vmem>>) target_semaphore(%arg15 : memref<!tpu.dma_semaphore, #tpu.memory_space<semaphore_mem>>)
      } else {
      }
    }
    %scan3A_16 = arith.constant 2 : i32
    %mul3A_17 = arith.constant 8000 : i32
    %mul3A_18 = arith.muli %add3A, %mul3A_17 : i32
    %dma_wait3A = tpu.memref_slice %arg5[%mul3A_18] : memref<1000000xf32, #tpu.memory_space<hbm>> -> memref<8000xf32, #tpu.memory_space<hbm>>
    %dma_wait3A_19 = tpu.memref_slice %arg5[%mul3A_18] : memref<1000000xf32, #tpu.memory_space<hbm>> -> memref<8000xf32, #tpu.memory_space<hbm>>
    tpu.wait_dma2 semaphore(%arg16 : memref<!tpu.dma_semaphore, #tpu.memory_space<semaphore_mem>>) src(%arg12 : memref<8000xf32, #tpu.memory_space<vmem>>) dst(%dma_wait3A_19 : memref<8000xf32, #tpu.memory_space<hbm>>)
    %mul3A_20 = arith.constant 8000 : i32
    %mul3A_21 = arith.muli %add3A, %mul3A_20 : i32
    %dma_wait3A_22 = tpu.memref_slice %arg5[%mul3A_21] : memref<1000000xf32, #tpu.memory_space<hbm>> -> memref<8000xf32, #tpu.memory_space<hbm>>
    %dma_wait3A_23 = tpu.memref_slice %arg5[%mul3A_21] : memref<1000000xf32, #tpu.memory_space<hbm>> -> memref<8000xf32, #tpu.memory_space<hbm>>
    tpu.wait_dma2 semaphore(%arg17 : memref<!tpu.dma_semaphore, #tpu.memory_space<semaphore_mem>>) src(%arg13 : memref<8000xf32, #tpu.memory_space<vmem>>) dst(%dma_wait3A_23 : memref<8000xf32, #tpu.memory_space<hbm>>)
    return
  }
}

</mosaic_0001>

<sc_bundles>
// kernel: _run.3.cloned.1.call-start
scs
__scs_entry_jumppad:
0x0: {  	(pc) =	sbr.rel $0x88, $3  }
0x1: {  	(tag) =	ssettag $0x0;
	lr =	simm.s32 $0x1  }
0x2: {  	[smem:$0x3F9E] =	sst lr;
	_ =	strace $0xD0000000  }
0x3: {  	_ = 	snop  }
0x4: {  	_ = 	snop  }
0x5: {  	_ = 	snop  }
0x6: {  	_ = 	snop  }
0x7: {  	_ = 	snop  }
__scs_overlays_trampoline_lowered:
0x8: {  	[smem:$0x3FAD] =	sst s0  }
0x9: {  	[smem:$0x3FAE] =	sst s1  }
0xa: {  	[smem:$0x3FAF] =	sst s2  }
0xb: {  	[smem:$0x3FB0] =	sst s3  }
0xc: {  	[smem:$0x3FB1] =	sst s4  }
0xd: {  	[smem:$0x3FB2] =	sst s5  }
0xe: {  	[smem:$0x3FB3] =	sst s6  }
0xf: {  	[smem:$0x3FB4] =	sst s7  }
0x10: {  	[smem:$0x3FB5] =	sst s8  }
0x11: {  	[smem:$0x3FB6] =	sst s9;
	s0 =	simm.s32 @!p0 $0x0  }
0x12: {  	s1 =	sld [smem:$0x3F9C];
	s0 =	simm.s32 @p0 $0x1  }
0x13: {  	[smem:$0x3FB7] =	sst s0;
	s0 =	simm.s32 @!p1 $0x0  }
0x14: {  	s2 =	sld [smem:$0x3F9B];
	s0 =	simm.s32 @p1 $0x1  }
0x15: {  	[smem:$0x3FB8] =	sst s0;
	s0 =	simm.s32 @!p2 $0x0  }
0x16: {  	s3 =	sld [smem:$0x3FDB];
	s0 =	simm.s32 @p2 $0x1  }
0x17: {  	s4 =	simm.s32 $0x1BF5;
	[smem:$0x3FBA] =	sst s0  }
0x18: {  	s0 =	sld [smem:$0x3F9D];
	_ =	swait.ge [sflag:s4], $0x0  }
0x19: {  	s7 =	sld [smem:$0x3F9E]  }
0x1a: {  	s8 =	sadd.s32 $0xFFFFE003, lr  }
0x1b: {  	s9 =	sadd.s32 $0xFFFFFEF7, lr;
	s5 =	simm.s32 $0xFFFFFFFF;
	p2 =	slt.u32 s8, $0xFFFFF086  }
0x1c: {  	p1 =	slt.u32 s9, $0xF7A;
	s5 =	simm.s32 @!p2 $0x0  }
0x1d: {  	s5 =	simm.s32 @p1 $0x1;
	p0 =	seq.s32 s7, s2  }
0x1e: {  	s7 =	smul.u32 @!p0 $0xF7A, s2;
	p2 =	seq.s32 @!p0 s5, $0x0  }
0x1f: {  	s9 =	smul.u32 $0xF7A, s1;
	s8 =	simm.s32 @!p0 $0x1BF5;
	p2 =	por !p2, p0  }
0x20: {  	[sflag:s8] =	ssyncset.s32 @!p0 $0xFFFFF086;
	s6 =	sadd.s32 @!p0 s3, s7;
	s7 =	simm.s32 @!p0 $0x108  }
0x21: {  	s3 =	sadd.s32 s3, s9;
	s6 =	sadd.s32 @!p0 $0x88, s6;
	s7 =	simm.s32 @p2 $0x1082  }
0x22: {  	[simem:s7], [sflag:s8] =	dma.local @!p0 [hbm:s6], $0xF7A  }
0x23: {  	s9 =	sor.u32 $0xD0000000, s2;
	s6 =	simm.s32 $0x108;
	_ =	swait.ge @!p0 [sflag:s8], $0x0  }
0x24: {  	s3 =	sadd.s32 $0x88, s3;
	s6 =	simm.s32 @!p1 $0x1082;
	[sflag:s4] =	ssyncset.s32 $0xFFFFF086  }
0x25: {  	[simem:s6], [sflag:s4] =	dma.local [hbm:s3], $0xF7A  }
0x26: {  	[smem:$0x3F9E] =	sst s1;
	(tag) =	ssettag s2;
	_ =	strace s9  }
0x27: {  	s1 =	sld [smem:$0x3FAE]  }
0x28: {  	s2 =	sld [smem:$0x3FAF]  }
0x29: {  	s4 =	sld [smem:$0x3FB1]  }
0x2a: {  	p0 =	seq.s32 s5, $0x0;
	s5 =	sld [smem:$0x3FB2]  }
0x2b: {  	s6 =	sld [smem:$0x3FB3]  }
0x2c: {  	s7 =	sld [smem:$0x3FB4]  }
0x2d: {  	s3 =	simm.s32 $0x108;
	s8 =	sld [smem:$0x3FB5]  }
0x2e: {  	s3 =	simm.s32 @!p0 $0x1082;
	s9 =	sld [smem:$0x3FB6]  }
0x2f: {  	lr =	sadd.s32 s0, s3;
	s0 =	sld [smem:$0x3FAD]  }
0x30: {  	s3 =	sld [smem:$0x3FB0]  }
0x31: {  	[smem:$0x3FB9] =	sst s10  }
0x32: {  	s10 =	sld [smem:$0x3FB7];
	_ =	sdelay $0x3  }
0x33: {  	p0 =	seq.s32 s10, $0x1;
	s10 =	sld [smem:$0x3FB9];
	_ =	sdelay $0x3  }
0x34: {  	[smem:$0x3FB9] =	sst s10  }
0x35: {  	s10 =	sld [smem:$0x3FB8];
	_ =	sdelay $0x3  }
0x36: {  	p1 =	seq.s32 s10, $0x1;
	s10 =	sld [smem:$0x3FB9];
	_ =	sdelay $0x3  }
0x37: {  	[smem:$0x3FB9] =	sst s10  }
0x38: {  	s10 =	sld [smem:$0x3FBA]  }
0x39: {  	_ = 	snop;
	(pc) =	sbr.ind lr, $3  }
0x3a: {  	_ = 	snop  }
0x3b: {  	_ = 	snop  }
0x3c: {  	p2 =	seq.s32 s10, $0x1;
	s10 =	sld [smem:$0x3FB9]  }
0x3d: {  	_ =	shalt  }
0x3e: {  	_ =	shalt  }
0x3f: {  	_ =	shalt  }
0x40: {  	_ =	shalt  }
0x41: {  	_ =	shalt  }
0x42: {  	_ =	shalt  }
0x43: {  	_ =	shalt  }
0x44: {  	_ =	shalt  }
0x45: {  	_ =	shalt  }
0x46: {  	_ =	shalt  }
0x47: {  	_ =	shalt  }
0x48: {  	_ =	shalt  }
0x49: {  	_ =	shalt  }
0x4a: {  	_ =	shalt  }
0x4b: {  	_ =	shalt  }
0x4c: {  	_ =	shalt  }
0x4d: {  	_ =	shalt  }
0x4e: {  	_ =	shalt  }
0x4f: {  	_ =	shalt  }
0x50: {  	_ =	shalt  }
0x51: {  	_ =	shalt  }
0x52: {  	_ =	shalt  }
0x53: {  	_ =	shalt  }
0x54: {  	_ =	shalt  }
0x55: {  	_ =	shalt  }
0x56: {  	_ =	shalt  }
0x57: {  	_ =	shalt  }
0x58: {  	_ =	shalt  }
0x59: {  	_ =	shalt  }
0x5a: {  	_ =	shalt  }
0x5b: {  	_ =	shalt  }
0x5c: {  	_ =	shalt  }
0x5d: {  	_ =	shalt  }
0x5e: {  	_ =	shalt  }
0x5f: {  	_ =	shalt  }
0x60: {  	_ =	shalt  }
0x61: {  	_ =	shalt  }
0x62: {  	_ =	shalt  }
0x63: {  	_ =	shalt  }
0x64: {  	_ =	shalt  }
0x65: {  	_ =	shalt  }
0x66: {  	_ =	shalt  }
0x67: {  	_ =	shalt  }
0x68: {  	_ =	shalt  }
0x69: {  	_ =	shalt  }
0x6a: {  	_ =	shalt  }
0x6b: {  	_ =	shalt  }
0x6c: {  	_ =	shalt  }
0x6d: {  	_ =	shalt  }
0x6e: {  	_ =	shalt  }
0x6f: {  	_ =	shalt  }
0x70: {  	_ =	shalt  }
0x71: {  	_ =	shalt  }
0x72: {  	_ =	shalt  }
0x73: {  	_ =	shalt  }
0x74: {  	_ =	shalt  }
0x75: {  	_ =	shalt  }
0x76: {  	_ =	shalt  }
0x77: {  	_ =	shalt  }
0x78: {  	_ =	shalt  }
0x79: {  	_ =	shalt  }
0x7a: {  	_ =	shalt  }
0x7b: {  	_ =	shalt  }
0x7c: {  	_ =	shalt  }
0x7d: {  	_ =	shalt  }
0x7e: {  	_ =	shalt  }
0x7f: {  	_ =	shalt  }
0x80: {  	_ =	shalt  }
0x81: {  	_ =	shalt  }
0x82: {  	_ =	shalt  }
0x83: {  	_ =	shalt  }
0x84: {  	_ =	shalt  }
0x85: {  	_ =	shalt  }
0x86: {  	_ =	shalt  }
0x87: {  	_ =	shalt  }
.Lfunc_end0:
.L_simem_size_0:
called_computation_lowered:
.L_overlay_start_0:
0x88: {  	s2 =	sld [smem:$0x3FD9]  }
0x89: {  	s3 =	sld [smem:$0x3FFE];
	_ =	sdelay $0x1  }
0x8a: {  	s1 =	srdreg.scid  }
0x8b: {  	s0 =	sand.u32 $0x1, s1  }
0x8c: {  	s18 =	sshll.u32 s0, $0xA;
	s2 =	sadd.s32 s3, s2  }
0x8d: {  	s2 =	sadd.s32 s2, s18  }
0x8e: {  	[smem:$0x3FC5] =	sst s2  }
0x8f: {  	_ = 	snop  }
0x90: {  	s2 =	sld [smem:$0x3FC9]  }
0x91: {  	s19 =	sld [smem:$0x3FC8]  }
0x92: {  	s4 =	sld [smem:$0x3FC7]  }
0x93: {  	s5 =	sld [smem:$0x3FD0];
	(tm) =	ssettm $0x1  }
0x94: {  	s6 =	sld [smem:$0x3FFB];
	_ =	sdelay $0x3  }
0x95: {  	_ =	strace s6  }
0x96: {  	s6 =	sld [smem:$0x3FFC];
	_ =	sdelay $0x3  }
0x97: {  	_ =	strace s6  }
0x98: {  	s6 =	sld [smem:$0x3FFD];
	_ =	sdelay $0x3  }
0x99: {  	_ =	strace s6  }
0x9a: {  	_ =	strace $0x8FFFFFFF  }
0x9b: {  	s20 =	sld [smem:$0x3FDB];
	_ =	sdelay $0x1  }
0x9c: {  	s7 =	simm.s32 $_scs_section_size  }
0x9d: {  	s8 =	simm.s32 $_size__tile_overlayer_lowered;
	s9 =	simm.s32 $_tile_overlayer_lowered  }
0x9e: {  	s23 =	simm.s32 $0x1BFF;
	s22 =	sshll.u32 s9, $0x1;
	s6 =	sadd.s32 s7, s20  }
0x9f: {  	s10 =	simm.s32 $0x0;
	s21 =	sshll.u32 s8, $0x1;
	s8 =	sadd.s32 s22, s6  }
0xa0: {  	[timem:s10], [sflag:s23] =	dma.local [hbm:s8], s21  }
0xa1: {  	_ =	swait.ge [sflag:s23], s21  }
0xa2: {  	s7 =	ssub.s32 $0x0, s21;
	[sflag:s23] =	ssyncset.done $0x0  }
0xa3: {  	[sflag:s23] =	ssyncadd.s32 s7;
	_ =	sdelay $0x1  }
0xa4: {  	s24 =	simm.s32 $0x1B8B  }
0xa5: {  	_ =	swait.ge [sflag:s24], $0x1  }
0xa6: {  	[sflag:s24] =	ssyncset.done $0x0  }
0xa7: {  	s25 =	simm.s32 $0x1B8E;
	[sflag:s24] =	ssyncadd.s32 $0xFFFFFFFF  }
0xa8: {  	s26 =	simm.s32 $execute0_lowered;
	[smem:$0x3FD2] =	sst s25  }
0xa9: {  	s7 =	sshll.u32 s26, $0x1;
	_ =	strace $0x80000046;
	[dreg:$0x1] =	wrdreg $0xFFFFFFFF  }
0xaa: {  	s28 =	simm.s32 $_size_execute0_lowered;
	s6 =	sadd.s32 s6, s7;
	[dreg:$0x0] =	wrdreg $0x0  }
0xab: {  	s7 =	sshll.u32 s28, $0x1;
	[dreg:$0x2] =	wrdreg s6  }
0xac: {  	[dreg:$0x3] =	wrdreg s7  }
0xad: {  	[dreg:$0x4] =	wrdreg $0xC0  }
0xae: {  	_ =	task [dreg:s10], $0x5FFFF  }
0xaf: {  	[dreg:$0x1] =	wrdreg $0xFFFFFFFF  }
0xb0: {  	[dreg:$0x0] =	wrdreg $0x60  }
0xb1: {  	[dreg:$0x2] =	wrdreg s2  }
0xb2: {  	[dreg:$0x3] =	wrdreg s19  }
0xb3: {  	[dreg:$0x4] =	wrdreg s4  }
0xb4: {  	[dreg:$0x5] =	wrdreg s5  }
0xb5: {  	[dreg:$0x6] =	wrdreg $0x9  }
0xb6: {  	_ =	task.clear_ibuf [dreg:s10], $0x7FFFF;
	_ =	strace $0x90000046  }
0xb7: {  	s29 =	simm.s32 $0x9;
	_ =	strace $0x80000048  }
0xb8: {  	_ =	swait.ge [sflag:s29], $0x1  }
0xb9: {  	[sflag:s29] =	ssyncadd.s32 $0xFFFFFFFF  }
0xba: {  	_ =	strace $0x90000048  }
0xbb: {  	_ =	sfence  }
0xbc: {  	s30 =	sld [smem:$0x0];
	_ =	sdelay $0x2  }
0xbd: {  	s31 =	sshll.u32 s1, $0xD;
	s1 =	sshrl.u32 s1, $0x2  }
0xbe: {  	s3 =	sand.u32 $0x4000, s31;
	s1 =	sadd.s32 s1, s30  }
0xbf: {  	s0 =	sor.u32 s3, s0;
	s1 =	sshll.u32 s1, $0x11  }
0xc0: {  	s0 =	sor.u32 s1, s0  }
0xc1: {  	s0 =	sadd.s32 $0x8F2B, s0  }
0xc2: {  	[sflag:s0] =	ssyncadd.remote.s32 $0x1  }
0xc3: {  	_ =	sfence.sel $0xFFFF  }
0xc4: {  	[dreg:$0x0] =	wrdreg $0xFFFFFFFF;
	(pc) =	sbr.abs _section_cstart, $3  }
0xc5: {  	[dreg:$0x1] =	wrdreg $0xFFFFFFFF  }
0xc6: {  	_ =	task.clear_ibuf [dreg:s10], $0x2FFFF;
	_ =	strace $0x9FFFFFFF  }
0xc7: {  	(tm) =	ssettm $0x7FFFFFFF  }
tec
execute0_lowered:
.L_overlay_start_1:
0x0: {  	(tag) =	ssettag $0x1  }
0x1: {  	s1 =	rddreg [dreg:$0x0]  }
0x2: {  	s2 =	rddreg [dreg:$0x1]  }
0x3: {  	s0 =	srdreg.scid;
	s4 =	rddreg [dreg:$0x2]  }
0x4: {  	s3 =	stileid.u32;
	s5 =	rddreg [dreg:$0x3]  }
0x5: {  	s7 =	simm.s32 $0x0;
	s19 =	simm.s32 $0x5E80;
	s20 =	simm.s32 $0x7E00  }
0x6: {  	s21 =	simm.s32 $0x9D80;
	s22 =	simm.s32 $0x1;
	s23 =	simm.s32 $0xBD00  }
0x7: {  	s24 =	simm.s32 $0x2;
	s0 =	sand.u32 $0x1, s0;
	s3 =	sshll.u32 s3, $0x1  }
0x8: {  	s25 =	simm.s32 $0xDC80;
	s26 =	simm.s32 $0x3;
	s6 =	sor.u32 s0, s3  }
0x9: {  	s28 =	simm.s32 $0x4;
	s29 =	simm.s32 $0x0;
	s3 =	smul.u32 $0x3E8, s6  }
0xa: {  	[smem:$0x7FF] =	sst s7;
	s0 =	ssub.s32 $0x2, s0;
	s9 =	smul.u32 $0x1F40, s6  }
.Ltmp0:
0xb: {  	_ =	strace $0x80000047;
	s8 =	sshrl.u32 s0, $0x1;
	(pc) =	sbr.rel .LBB2_1-.Ltmp0, $4  }
0xc: {  	s14 =	sor.u32 $0x40, s6;
	s15 =	sor.u32 $0x60, s6;
	s0 =	ssub.s32 s0, s8  }
0xd: {  	s8 =	sadd.s32 s1, s3;
	s11 =	sshrl.u32 s9, $0x3;
	s9 =	sadd.s32 s2, s3  }
0xe: {  	s10 =	sadd.s32 s4, s3;
	s16 =	smax.u32 s0, $0x1;
	s31 =	sadd.s32 $0x7D00, s11  }
0xf: {  	s11 =	sadd.s32 s1, s31;
	s12 =	sadd.s32 s2, s31;
	s13 =	sadd.s32 s4, s31  }
.LBB2_9:
0x10: {  	s29 =	sadd.s32 $0x1, s29  }
0x11: {  	_ =	swait.ge [sflag:s26], $0x1F40;
	p0 =	sne.s32 s29, s16  }
.Ltmp1:
0x12: {  	[sflag:s26] =	ssyncset.done $0x0;
	(pc) =	sbr.rel @!p0 .LBB2_10-.Ltmp1, $4  }
0x13: {  	[sflag:s26] =	ssyncadd.s32 $0xFFFFE0C0  }
0x14: {  	_ =	swait.ge [sflag:s28], $0x1F40  }
0x15: {  	[sflag:s28] =	ssyncset.done $0x0  }
0x16: {  	[sflag:s28] =	ssyncadd.s32 $0xFFFFE0C0  }
.LBB2_1:
0x17: {  	[tilespmem:s7], [sflag:$0x1] =	stream.linear.gather [hbm4b:s8+s7], $0x1F40, $0x38;
	[tilespmem:$0xFC00] =	vst v63  }
0x18: {  	s0 =	simm.s32 $0x1F80  }
0x19: {  	[tilespmem:s0], [sflag:$0x1] =	stream.linear.gather [hbm4b:s9+s7], $0x1F40, $0x38;
	[tilespmem:$0xFC00] =	vst v63  }
0x1a: {  	s31 =	simm.s32 $0x3F00  }
0x1b: {  	[tilespmem:s31], [sflag:$0x1] =	stream.linear.gather [hbm4b:s10+s7], $0x1F40, $0x38;
	[tilespmem:$0xFC00] =	vst v63  }
0x1c: {  	_ = 	snop  }
0x1d: {  	[tilespmem:s19], [sflag:$0x2] =	stream.linear.gather [hbm4b:s11+s7], $0x1F40, $0x38;
	[tilespmem:$0xFC00] =	vst v63  }
.Ltmp2:
0x1e: {  	_ = 	snop;
	(pc) =	sbr.rel .LBB2_2-.Ltmp2, $4  }
0x1f: {  	_ = 	snop  }
0x20: {  	[tilespmem:s20], [sflag:$0x2] =	stream.linear.gather [hbm4b:s12+s7], $0x1F40, $0x38;
	[tilespmem:$0xFC00] =	vst v63  }
0x21: {  	p1 =	por $0x1, $0x1;
	s30 =	simm.s32 $0x0  }
0x22: {  	[tilespmem:s21], [sflag:$0x2] =	stream.linear.gather [hbm4b:s13+s7], $0x1F40, $0x38;
	[tilespmem:$0xFC00] =	vst v63  }
.LBB2_8:
0x23: {  	s0 =	sadd.s32 s15, s30  }
0x24: {  	p1 =	sgt.u32 s0, $0x7C  }
0x25: {  	s0 =	smul.u32 @!p1 $0x3E8, s0;
	_ =	sdelay $0x1  }
0x26: {  	s17 =	simm.s32 @!p1 $0x0;
	s18 =	simm.s32 @!p1 $0x5E80;
	s3 =	sadd.s32 @!p1 s1, s0  }
0x27: {  	[tilespmem:s18], [sflag:$0x2] =	stream.linear.gather @!p1 [hbm4b:s3+s17], $0x1F40, $0x38;
	[tilespmem:$0xFC00] =	vst v63  }
.Ltmp3:
0x28: {  	s3 =	sadd.s32 @!p1 s2, s0;
	s18 =	simm.s32 @!p1 $0x7E00;
	(pc) =	sbr.rel @!p0 .LBB2_9-.Ltmp3, $4  }
0x29: {  	[tilespmem:s18], [sflag:$0x2] =	stream.linear.gather @!p1 [hbm4b:s3+s17], $0x1F40, $0x38;
	[tilespmem:$0xFC00] =	vst v63  }
0x2a: {  	s0 =	sadd.s32 @!p1 s4, s0;
	s3 =	simm.s32 @!p1 $0x9D80  }
0x2b: {  	[tilespmem:s3], [sflag:$0x2] =	stream.linear.gather @!p1 [hbm4b:s0+s17], $0x1F40, $0x38;
	[tilespmem:$0xFC00] =	vst v63  }
0x2c: {  	s30 =	simm.s32 $0x40;
	p1 =	por $0x0, $0x0  }
.LBB2_2:
0x2d: {  	s0 =	simm.s32 @!p1 $0x3  }
0x2e: {  	_ =	swait.ge @!p1 [sflag:s0], $0x1F40  }
0x2f: {  	[sflag:s0] =	ssyncset.done @!p1 $0x0  }
0x30: {  	[sflag:s0] =	ssyncadd.s32 @!p1 $0xFFFFE0C0  }
0x31: {  	_ =	swait.ge [sflag:s22], $0x1F40  }
0x32: {  	[sflag:s22] =	ssyncset.done $0x0  }
0x33: {  	[sflag:s22] =	ssyncadd.s32 $0xFFFFE0C0  }
0x34: {  	_ =	swait.ge [sflag:s22], $0x1F40  }
0x35: {  	[sflag:s22] =	ssyncset.done $0x0  }
0x36: {  	[sflag:s22] =	ssyncadd.s32 $0xFFFFE0C0  }
0x37: {  	_ =	swait.ge [sflag:s22], $0x1F40  }
0x38: {  	[sflag:s22] =	ssyncset.done $0x0  }
0x39: {  	s31 =	simm.s32 $0x0;
	[sflag:s22] =	ssyncadd.s32 $0xFFFFE0C0  }
0x3a: {  	v0 =	vld [tilespmem:s31+$0x3F00]  }
0x3b: {  	v1 =	vld [tilespmem:s31+$0x3F40]  }
0x3c: {  	v2 =	vld [tilespmem:s31+$0x1FC0]  }
0x3d: {  	v3 =	vld [tilespmem:s31+$0x40]  }
0x3e: {  	v4 =	vld [tilespmem:s31+$0x1F80]  }
0x3f: {  	v7 =	vld [tilespmem:s31+$0x10]  }
0x40: {  	v8 =	vld [tilespmem:s31+$0x3F30]  }
0x41: {  	v9 =	vld [tilespmem:s31+$0x30]  }
0x42: {  	v12 =	vld [tilespmem:s31+$0x1F90]  }
0x43: {  	v10 =	vld [tilespmem:s31+$0x20]  }
0x44: {  	v15 =	vld [tilespmem:s31+$0x1FA0];
	v0 =	vand.u32 $0x7FFFFFFF, v0  }
0x45: {  	v5 =	vld [tilespmem:s31+$0x3F20];
	v1 =	vand.u32 $0x7FFFFFFF, v1;
	v2 =	vand.u32 $0x7FFFFFFF, v2;
	v4 =	vand.u32 $0x7FFFFFFF, v4  }
0x46: {  	v11 =	vand.u32 $0x7FFFFFFF, v3;
	v7 =	vand.u32 $0x7FFFFFFF, v7;
	v9 =	vand.u32 $0x7FFFFFFF, v9  }
0x47: {  	v6 =	vld [tilespmem:s31+$0x0];
	v8 =	vand.u32 $0x7FFFFFFF, v8;
	v12 =	vand.u32 $0x7FFFFFFF, v12;
	v0 =	vadd.f32 $-4.000000060e-01, v0  }
0x48: {  	v10 =	vand.u32 $0x7FFFFFFF, v10;
	v2 =	vadd.f32 $-4.000000060e-01, v2;
	v1 =	vadd.f32 $-4.000000060e-01, v1  }
0x49: {  	v15 =	vand.u32 $0x7FFFFFFF, v15;
	v3 =	vadd.f32 $-4.000000060e-01, v4;
	v9 =	vadd.f32 $-4.000000060e-01, v9  }
0x4a: {  	v4 =	vand.u32 $0x7FFFFFFF, v5;
	v19 =	vadd.f32 $-4.000000060e-01, v7;
	v12 =	vadd.f32 $-4.000000060e-01, v12  }
0x4b: {  	v22 =	vadd.f32 $-4.000000060e-01, v10;
	v23 =	vadd.f32 $-4.000000060e-01, v8;
	v5 =	vmax.f32 v0, $0.0e+00  }
0x4c: {  	v15 =	vadd.f32 $-4.000000060e-01, v15;
	v14 =	vmul.f32 v5, v5;
	v5 =	vand.u32 $0x7FFFFFFF, v6;
	v6 =	vld [tilespmem:s31+$0x1FB0]  }
0x4d: {  	v24 =	vadd.f32 $-4.000000060e-01, v4;
	v4 =	vadd.f32 $-4.000000060e-01, v11;
	v13 =	vmax.f32 v1, $0.0e+00  }
0x4e: {  	v17 =	vld [tilespmem:s31+$0x3F10];
	v11 =	vmax.f32 v2, $0.0e+00;
	v18 =	vmax.f32 v3, $0.0e+00;
	v8 =	vmax.f32 v12, $0.0e+00  }
0x4f: {  	v25 =	vmax.f32 v23, $0.0e+00;
	v16 =	vmax.f32 v4, $0.0e+00;
	v5 =	vadd.f32 $-4.000000060e-01, v5  }
0x50: {  	v12 =	vmax.f32 v19, v12;
	v11 =	vmul.f32 v11, v11;
	v16 =	vmul.f32 v16, v16  }
0x51: {  	v18 =	vmul.f32 v18, v18;
	v7 =	vmax.f32 v5, $0.0e+00;
	v6 =	vand.u32 $0x7FFFFFFF, v6  }
0x52: {  	v11 =	vadd.f32 v11, v16;
	v21 =	vadd.f32 $-4.000000060e-01, v6;
	v6 =	vmul.f32 v7, v7  }
0x53: {  	v16 =	vmul.f32 v13, v13;
	v13 =	vand.u32 $0x7FFFFFFF, v17;
	v17 =	vmax.f32 v19, $0.0e+00  }
0x54: {  	v20 =	vmax.f32 v24, $0.0e+00;
	v17 =	vmul.f32 v17, v17;
	v6 =	vadd.f32 v18, v6  }
0x55: {  	v7 =	vmax.f32 v9, $0.0e+00;
	v10 =	vmax.f32 v21, $0.0e+00;
	v18 =	vadd.f32 $-4.000000060e-01, v13  }
0x56: {  	v13 =	vmul.f32 v7, v7;
	v10 =	vmul.f32 v10, v10;
	v7 =	vadd.f32 v14, v6  }
0x57: {  	v6 =	vmul.f32 v8, v8;
	v8 =	vmax.f32 v15, $0.0e+00;
	v14 =	vmax.f32 v22, $0.0e+00  }
0x58: {  	v10 =	vadd.f32 v10, v13;
	v14 =	vmul.f32 v14, v14;
	v26 =	vmul.f32 v8, v8  }
0x59: {  	v17 =	vadd.f32 v6, v17;
	v6 =	vmul.f32 v25, v25;
	v25 =	vmax.f32 v18, $0.0e+00  }
0x5a: {  	v20 =	vmul.f32 v20, v20;
	v8 =	vadd.f32 v16, v11;
	v25 =	vmul.f32 v25, v25  }
0x5b: {  	v13 =	vmul.f32 $5.000000000e-01, v7;
	v6 =	vadd.f32 v6, v10;
	v10 =	vadd.f32 v26, v14  }
0x5c: {  	v27 =	vshra.s32 v7, $0x1;
	v16 =	vshra.s32 v8, $0x1;
	v11 =	vadd.f32 v25, v17  }
0x5d: {  	v14 =	vshra.s32 v6, $0x1;
	v25 =	vmul.f32 $5.000000000e-01, v6;
	v10 =	vadd.f32 v20, v10  }
0x5e: {  	v19 =	vsub.s32 $0x5F3759DF, v14;
	v14 =	vshra.s32 v11, $0x1;
	v26 =	vmul.f32 $5.000000000e-01, v11  }
0x5f: {  	v17 =	vsub.s32 $0x5F3759DF, v27;
	v20 =	vsub.s32 $0x5F3759DF, v14;
	v14 =	vmul.f32 v19, v25  }
0x60: {  	v28 =	vshra.s32 v10, $0x1;
	v29 =	vmul.f32 $5.000000000e-01, v10;
	v27 =	vmul.f32 v20, v26  }
0x61: {  	v28 =	vsub.s32 $0x5F3759DF, v28;
	v30 =	vmul.f32 v19, v14;
	v14 =	vmul.f32 $5.000000000e-01, v8  }
0x62: {  	v32 =	vsub.s32 $0x5F3759DF, v16;
	v31 =	vmul.f32 v28, v29;
	v27 =	vmul.f32 v20, v27  }
0x63: {  	v16 =	vmax.f32 v12, v18;
	v30 =	vsub.f32 $1.500000000e+00, v30;
	v34 =	vmul.f32 v32, v14  }
0x64: {  	v33 =	vmul.f32 v17, v13;
	v18 =	vmul.f32 v28, v31;
	v12 =	vsub.f32 $1.500000000e+00, v27  }
0x65: {  	v21 =	vmax.f32 v9, v21;
	v9 =	vmul.f32 v19, v30;
	v19 =	vmul.f32 v32, v34  }
0x66: {  	v27 =	vmul.f32 v17, v33;
	v20 =	vmul.f32 v20, v12;
	v12 =	vsub.f32 $1.500000000e+00, v18  }
0x67: {  	v63 =	vmax.f32 v22, v15;
	v15 =	vmul.f32 v9, v25;
	v25 =	vsub.f32 $1.500000000e+00, v19  }
0x68: {  	v22 =	vsub.f32 $1.500000000e+00, v27;
	v26 =	vmul.f32 v20, v26;
	v18 =	vmul.f32 v28, v12  }
0x69: {  	v19 =	vmax.f32 v21, v23;
	v21 =	vmul.f32 v15, v9;
	v15 =	vmul.f32 v32, v25  }
0x6a: {  	p0 =	por p1, p1;
	s3 =	sor.u32 s6, s30;
	s0 =	simm.s32 $0x140;
	v12 =	vmax.f32 v63, v24;
	v23 =	vmul.f32 v26, v20;
	v24 =	vmul.f32 v18, v29  }
.LBB2_3:
0x6b: {  	s17 =	sshra.s32 s0, $0x2;
	p1 =	sne.s32 s0, $0x7BC0;
	s0 =	sadd.s32 $0x140, s0;
	v3 =	vmax.f32 v5, v3;
	v5 =	vmul.f32 v17, v22;
	v2 =	vmax.f32 v4, v2  }
0x6c: {  	v4 =	vld [tilespmem:s17+$0x3F00];
	v17 =	vsub.f32 $1.500000000e+00, v23;
	v22 =	vmul.f32 v24, v18;
	v1 =	vmax.f32 v2, v1  }
0x6d: {  	v0 =	vmax.f32 v3, v0;
	v2 =	vld [tilespmem:s17+$0x3F40];
	v3 =	vmul.f32 v5, v13;
	v13 =	vmin.f32 v1, $0.0e+00  }
0x6e: {  	v23 =	vmin.f32 v0, $0.0e+00;
	v1 =	vld [tilespmem:s17+$0x1FC0];
	v0 =	vmul.f32 v17, v20;
	v17 =	vsub.f32 $1.500000000e+00, v22  }
0x6f: {  	v19 =	vmin.f32 v19, $0.0e+00;
	v22 =	vmin.f32 v12, $0.0e+00;
	v20 =	vld [tilespmem:s17+$0x40];
	v3 =	vmul.f32 v3, v5  }
0x70: {  	v12 =	vld [tilespmem:s17+$0x1F80];
	v0 =	vmul.f32 v0, v11;
	v11 =	vmin.f32 v16, $0.0e+00;
	v16 =	vmul.f32 v17, v18  }
0x71: {  	v18 =	vsub.f32 $1.500000000e+00, v21;
	v4 =	vand.u32 $0x7FFFFFFF, v4;
	v17 =	vld [tilespmem:s17+$0x3F20];
	v3 =	vsub.f32 $1.500000000e+00, v3  }
0x72: {  	v21 =	vld [tilespmem:s17+$0x0];
	v24 =	vand.u32 $0x7FFFFFFF, v2;
	v11 =	vsub.f32 v0, v11;
	v10 =	vmul.f32 v16, v10  }
0x73: {  	v0 =	vadd.f32 $-4.000000060e-01, v4;
	v4 =	vld [tilespmem:s17+$0x10];
	v1 =	vand.u32 $0x7FFFFFFF, v1;
	v3 =	vmul.f32 v3, v5  }
0x74: {  	v5 =	vmul.f32 v15, v14;
	v16 =	vld [tilespmem:s17+$0x3F30];
	v2 =	vadd.f32 $-4.000000060e-01, v1;
	v1 =	vadd.f32 $-4.000000060e-01, v24  }
0x75: {  	v20 =	vand.u32 $0x7FFFFFFF, v20;
	v12 =	vand.u32 $0x7FFFFFFF, v12;
	v14 =	vld [tilespmem:s17+$0x30];
	v7 =	vmul.f32 v3, v7;
	[tilespmem:s31+$0xBD10] =	vst v11  }
0x76: {  	v5 =	vmul.f32 v5, v15;
	v3 =	vadd.f32 $-4.000000060e-01, v12;
	v11 =	vld [tilespmem:s17+$0x20];
	v12 =	vand.u32 $0x7FFFFFFF, v17  }
0x77: {  	v17 =	vmax.f32 v0, $0.0e+00;
	v25 =	vmax.f32 v1, $0.0e+00;
	v24 =	vld [tilespmem:s17+$0x1F90];
	v12 =	vadd.f32 $-4.000000060e-01, v12  }
0x78: {  	v26 =	vmax.f32 v2, $0.0e+00;
	v17 =	vmul.f32 v17, v17;
	v27 =	vsub.f32 $1.500000000e+00, v5  }
0x79: {  	v5 =	vand.u32 $0x7FFFFFFF, v21;
	v21 =	vand.u32 $0x7FFFFFFF, v4;
	v4 =	vadd.f32 $-4.000000060e-01, v20;
	v28 =	vld [tilespmem:s17+$0x1FB0]  }
0x7a: {  	v5 =	vadd.f32 $-4.000000060e-01, v5;
	v15 =	vmul.f32 v27, v15;
	v14 =	vand.u32 $0x7FFFFFFF, v14  }
0x7b: {  	v26 =	vmul.f32 v26, v26;
	v16 =	vand.u32 $0x7FFFFFFF, v16;
	v27 =	vmax.f32 v4, $0.0e+00;
	v20 =	vld [tilespmem:s17+$0x1FA0]  }
0x7c: {  	v11 =	vand.u32 $0x7FFFFFFF, v11;
	v30 =	vadd.f32 $-4.000000060e-01, v14;
	v29 =	vld [tilespmem:s17+$0x3F10];
	v24 =	vand.u32 $0x7FFFFFFF, v24  }
0x7d: {  	v14 =	vmax.f32 v3, $0.0e+00;
	v27 =	vmul.f32 v27, v27;
	v8 =	vmul.f32 v15, v8  }
0x7e: {  	v9 =	vmul.f32 v18, v9;
	v14 =	vmul.f32 v14, v14;
	v15 =	vand.u32 $0x7FFFFFFF, v28  }
0x7f: {  	v18 =	vmax.f32 v5, $0.0e+00;
	v26 =	vadd.f32 v26, v27;
	v8 =	vsub.f32 v8, v13  }
0x80: {  	v21 =	vadd.f32 $-4.000000060e-01, v21;
	v13 =	vand.u32 $0x7FFFFFFF, v20;
	v20 =	vmul.f32 v25, v25  }
0x81: {  	v6 =	vmul.f32 v9, v6;
	v27 =	vmax.f32 v12, $0.0e+00;
	v25 =	vand.u32 $0x7FFFFFFF, v29;
	[tilespmem:s31+$0xBD40] =	vst v8  }
0x82: {  	v7 =	vsub.f32 v7, v23;
	v9 =	vmax.f32 v21, $0.0e+00;
	v8 =	vadd.f32 $-4.000000060e-01, v24  }
0x83: {  	v6 =	vsub.f32 v6, v19;
	v9 =	vmul.f32 v9, v9;
	v15 =	vadd.f32 $-4.000000060e-01, v15  }
0x84: {  	v23 =	vadd.f32 $-4.000000060e-01, v16;
	v18 =	vmul.f32 v18, v18;
	v19 =	vadd.f32 $-4.000000060e-01, v11;
	[tilespmem:s31+$0xBD00] =	vst v7  }
0x85: {  	v10 =	vsub.f32 v10, v22;
	v24 =	vadd.f32 $-4.000000060e-01, v13;
	v7 =	vmax.f32 v30, $0.0e+00;
	[tilespmem:s31+$0xBD30] =	vst v6  }
0x86: {  	v13 =	vmax.f32 v15, $0.0e+00;
	v11 =	vmax.f32 v8, $0.0e+00;
	v6 =	vadd.f32 v14, v18  }
0x87: {  	v16 =	vadd.f32 $-4.000000060e-01, v25;
	v13 =	vmul.f32 v13, v13;
	v14 =	vmul.f32 v7, v7;
	[tilespmem:s31+$0xBD20] =	vst v10;
	s31 =	smov.u32 s17  }
0x88: {  	v7 =	vadd.f32 v17, v6;
	v6 =	vmul.f32 v11, v11;
	v10 =	vmax.f32 v24, $0.0e+00  }
0x89: {  	v11 =	vmax.f32 v19, $0.0e+00;
	v17 =	vmax.f32 v23, $0.0e+00;
	v14 =	vadd.f32 v13, v14  }
0x8a: {  	v13 =	vmul.f32 $5.000000000e-01, v7;
	v9 =	vadd.f32 v6, v9;
	v6 =	vmul.f32 v17, v17  }
0x8b: {  	v22 =	vmul.f32 v27, v27;
	v18 =	vmul.f32 v11, v11;
	v17 =	vmax.f32 v16, $0.0e+00  }
0x8c: {  	v10 =	vmul.f32 v10, v10;
	v11 =	vmul.f32 v17, v17;
	v6 =	vadd.f32 v6, v14  }
0x8d: {  	v21 =	vmax.f32 v21, v8;
	v8 =	vadd.f32 v20, v26;
	v14 =	vshra.s32 v7, $0x1  }
0x8e: {  	v11 =	vadd.f32 v11, v9;
	v9 =	vadd.f32 v10, v18;
	v10 =	vshra.s32 v6, $0x1  }
0x8f: {  	v20 =	vshra.s32 v8, $0x1;
	v25 =	vmul.f32 $5.000000000e-01, v6;
	v18 =	vsub.s32 $0x5F3759DF, v10  }
0x90: {  	v26 =	vshra.s32 v11, $0x1;
	v27 =	vmul.f32 $5.000000000e-01, v11;
	v10 =	vadd.f32 v22, v9  }
0x91: {  	v17 =	vsub.s32 $0x5F3759DF, v14;
	v22 =	vsub.s32 $0x5F3759DF, v26;
	v9 =	vmul.f32 v18, v25  }
0x92: {  	v26 =	vmul.f32 v22, v27;
	v14 =	vshra.s32 v10, $0x1;
	v28 =	vmul.f32 $5.000000000e-01, v10  }
0x93: {  	v29 =	vsub.s32 $0x5F3759DF, v14;
	v9 =	vmul.f32 v18, v9;
	v14 =	vmul.f32 $5.000000000e-01, v8  }
0x94: {  	v32 =	vsub.s32 $0x5F3759DF, v20;
	v26 =	vmul.f32 v22, v26;
	v31 =	vmul.f32 v29, v28  }
0x95: {  	v20 =	vmul.f32 v17, v13;
	v9 =	vsub.f32 $1.500000000e+00, v9;
	v33 =	vmul.f32 v32, v14  }
0x96: {  	v16 =	vmax.f32 v21, v16;
	v21 =	vsub.f32 $1.500000000e+00, v26;
	v26 =	vmul.f32 v29, v31  }
0x97: {  	v15 =	vmax.f32 v30, v15;
	v9 =	vmul.f32 v18, v9;
	v18 =	vmul.f32 v32, v33  }
.Ltmp4:
0x98: {  	v30 =	vmul.f32 v17, v20;
	v20 =	vmul.f32 v22, v21;
	v21 =	vsub.f32 $1.500000000e+00, v26;
	(pc) =	sbr.rel @p1 .LBB2_3-.Ltmp4, $4  }
0x99: {  	v24 =	vmax.f32 v19, v24;
	v25 =	vmul.f32 v9, v25;
	v26 =	vsub.f32 $1.500000000e+00, v18  }
0x9a: {  	v22 =	vsub.f32 $1.500000000e+00, v30;
	v27 =	vmul.f32 v20, v27;
	v18 =	vmul.f32 v29, v21  }
0x9b: {  	v19 =	vmax.f32 v15, v23;
	v21 =	vmul.f32 v25, v9;
	v15 =	vmul.f32 v32, v26  }
0x9c: {  	v12 =	vmax.f32 v24, v12;
	v23 =	vmul.f32 v27, v20;
	v24 =	vmul.f32 v18, v28  }
0x9d: {  	v17 =	vmul.f32 v17, v22;
	v14 =	vmul.f32 v15, v14  }
0x9e: {  	v3 =	vmax.f32 v5, v3;
	v2 =	vmax.f32 v4, v2;
	v54 =	vsub.f32 $1.500000000e+00, v21  }
0x9f: {  	v56 =	vmin.f32 v16, $0.0e+00;
	v50 =	vmul.f32 v24, v18;
	v13 =	vmul.f32 v17, v13  }
0xa0: {  	v59 =	vmin.f32 v19, $0.0e+00;
	v49 =	vsub.f32 $1.500000000e+00, v23;
	v48 =	vmul.f32 v14, v15  }
0xa1: {  	v5 =	vmul.f32 v54, v9;
	v55 =	vsub.f32 $1.500000000e+00, v50;
	v13 =	vmul.f32 v13, v17  }
0xa2: {  	v1 =	vmax.f32 v2, v1;
	v52 =	vmul.f32 v49, v20;
	v51 =	vsub.f32 $1.500000000e+00, v48  }
0xa3: {  	v58 =	vmul.f32 v5, v6;
	v57 =	vmul.f32 v55, v18;
	v53 =	vsub.f32 $1.500000000e+00, v13  }
0xa4: {  	v0 =	vmax.f32 v3, v0;
	v3 =	vmul.f32 v52, v11;
	v2 =	vmul.f32 v51, v15  }
0xa5: {  	v62 =	vsub.f32 v58, v59;
	v60 =	vmul.f32 v57, v10;
	v4 =	vmul.f32 v53, v17  }
0xa6: {  	v61 =	vmin.f32 v12, $0.0e+00;
	v3 =	vsub.f32 v3, v56;
	v2 =	vmul.f32 v2, v8  }
0xa7: {  	v1 =	vmin.f32 v1, $0.0e+00;
	[tilespmem:s31+$0xBD30] =	vst v62;
	v63 =	vsub.f32 v60, v61;
	v4 =	vmul.f32 v4, v7  }
0xa8: {  	v0 =	vmin.f32 v0, $0.0e+00;
	[tilespmem:s31+$0xBD10] =	vst v3;
	v1 =	vsub.f32 v2, v1  }
0xa9: {  	s0 =	smul.u32 $0x3E8, s3;
	s17 =	sadd.s32 s14, s30;
	[tilespmem:s31+$0xBD20] =	vst v63;
	v0 =	vsub.f32 v4, v0  }
0xaa: {  	p1 =	sgt.u32 s17, $0x7C;
	[tilespmem:s31+$0xBD40] =	vst v1  }
0xab: {  	s0 =	sadd.s32 s5, s0;
	s17 =	smul.u32 @!p1 $0x3E8, s17;
	[tilespmem:s31+$0xBD00] =	vst v0  }
0xac: {  	[hbm4b:s0+s7] =	stream.linear.scatter [tilespmem:s23], [sflag:$0x3], $0x1F40, $0x38;
	[tilespmem:$0xFC00] =	vst v63  }
0xad: {  	s31 =	simm.s32 @!p1 $0x0;
	s0 =	sadd.s32 @!p1 s1, s17  }
0xae: {  	[tilespmem:s31], [sflag:$0x1] =	stream.linear.gather @!p1 [hbm4b:s0+s31], $0x1F40, $0x38;
	[tilespmem:$0xFC00] =	vst v63  }
0xaf: {  	s18 =	simm.s32 @!p1 $0x1F80;
	s0 =	sadd.s32 @!p1 s2, s17  }
0xb0: {  	[tilespmem:s18], [sflag:$0x1] =	stream.linear.gather @!p1 [hbm4b:s0+s31], $0x1F40, $0x38;
	[tilespmem:$0xFC00] =	vst v63  }
0xb1: {  	s0 =	sadd.s32 @!p1 s4, s17;
	s17 =	simm.s32 @!p1 $0x3F00  }
0xb2: {  	[tilespmem:s17], [sflag:$0x1] =	stream.linear.gather @!p1 [hbm4b:s0+s31], $0x1F40, $0x38;
	[tilespmem:$0xFC00] =	vst v63  }
0xb3: {  	s31 =	sor.u32 $0x20, s3  }
0xb4: {  	p1 =	sgt.u32 s31, $0x7C  }
.Ltmp5:
0xb5: {  	_ = 	snop;
	(pc) =	sbr.rel @p1 .LBB2_8-.Ltmp5, $1  }
0xb6: {  	_ =	sdelay $0x3  }
0xb7: {  	s0 =	simm.s32 @!p0 $0x4  }
0xb8: {  	_ =	swait.ge @!p0 [sflag:s0], $0x1F40  }
0xb9: {  	[sflag:s0] =	ssyncset.done @!p0 $0x0  }
0xba: {  	[sflag:s0] =	ssyncadd.s32 @!p0 $0xFFFFE0C0  }
0xbb: {  	_ =	swait.ge [sflag:s24], $0x1F40  }
0xbc: {  	[sflag:s24] =	ssyncset.done $0x0  }
0xbd: {  	[sflag:s24] =	ssyncadd.s32 $0xFFFFE0C0  }
0xbe: {  	_ =	swait.ge [sflag:s24], $0x1F40  }
0xbf: {  	[sflag:s24] =	ssyncset.done $0x0  }
0xc0: {  	[sflag:s24] =	ssyncadd.s32 $0xFFFFE0C0  }
0xc1: {  	_ =	swait.ge [sflag:s24], $0x1F40  }
0xc2: {  	[sflag:s24] =	ssyncset.done $0x0  }
0xc3: {  	s3 =	simm.s32 $0x0;
	[sflag:s24] =	ssyncadd.s32 $0xFFFFE0C0  }
0xc4: {  	v0 =	vld [tilespmem:s3+$0x9D80]  }
0xc5: {  	v1 =	vld [tilespmem:s3+$0x9DC0]  }
0xc6: {  	v2 =	vld [tilespmem:s3+$0x7E40]  }
0xc7: {  	v3 =	vld [tilespmem:s3+$0x5EC0]  }
0xc8: {  	v4 =	vld [tilespmem:s3+$0x7E00]  }
0xc9: {  	v7 =	vld [tilespmem:s3+$0x5E90]  }
0xca: {  	v8 =	vld [tilespmem:s3+$0x9DB0]  }
0xcb: {  	v9 =	vld [tilespmem:s3+$0x5EB0]  }
0xcc: {  	v12 =	vld [tilespmem:s3+$0x7E10]  }
0xcd: {  	v10 =	vld [tilespmem:s3+$0x5EA0]  }
0xce: {  	v15 =	vld [tilespmem:s3+$0x7E20];
	v0 =	vand.u32 $0x7FFFFFFF, v0  }
0xcf: {  	v5 =	vld [tilespmem:s3+$0x9DA0];
	v1 =	vand.u32 $0x7FFFFFFF, v1;
	v2 =	vand.u32 $0x7FFFFFFF, v2;
	v4 =	vand.u32 $0x7FFFFFFF, v4  }
0xd0: {  	v11 =	vand.u32 $0x7FFFFFFF, v3;
	v7 =	vand.u32 $0x7FFFFFFF, v7;
	v9 =	vand.u32 $0x7FFFFFFF, v9  }
0xd1: {  	v6 =	vld [tilespmem:s3+$0x5E80];
	v8 =	vand.u32 $0x7FFFFFFF, v8;
	v12 =	vand.u32 $0x7FFFFFFF, v12;
	v0 =	vadd.f32 $-4.000000060e-01, v0  }
0xd2: {  	v10 =	vand.u32 $0x7FFFFFFF, v10;
	v2 =	vadd.f32 $-4.000000060e-01, v2;
	v1 =	vadd.f32 $-4.000000060e-01, v1  }
0xd3: {  	v15 =	vand.u32 $0x7FFFFFFF, v15;
	v3 =	vadd.f32 $-4.000000060e-01, v4;
	v9 =	vadd.f32 $-4.000000060e-01, v9  }
0xd4: {  	v4 =	vand.u32 $0x7FFFFFFF, v5;
	v19 =	vadd.f32 $-4.000000060e-01, v7;
	v12 =	vadd.f32 $-4.000000060e-01, v12  }
0xd5: {  	v22 =	vadd.f32 $-4.000000060e-01, v10;
	v23 =	vadd.f32 $-4.000000060e-01, v8;
	v5 =	vmax.f32 v0, $0.0e+00  }
0xd6: {  	v15 =	vadd.f32 $-4.000000060e-01, v15;
	v14 =	vmul.f32 v5, v5;
	v5 =	vand.u32 $0x7FFFFFFF, v6;
	v6 =	vld [tilespmem:s3+$0x7E30]  }
0xd7: {  	v24 =	vadd.f32 $-4.000000060e-01, v4;
	v4 =	vadd.f32 $-4.000000060e-01, v11;
	v13 =	vmax.f32 v1, $0.0e+00  }
0xd8: {  	v17 =	vld [tilespmem:s3+$0x9D90];
	v11 =	vmax.f32 v2, $0.0e+00;
	v18 =	vmax.f32 v3, $0.0e+00;
	v8 =	vmax.f32 v12, $0.0e+00  }
0xd9: {  	v16 =	vmax.f32 v4, $0.0e+00;
	v11 =	vmul.f32 v11, v11;
	v5 =	vadd.f32 $-4.000000060e-01, v5  }
0xda: {  	v25 =	vmax.f32 v23, $0.0e+00;
	v18 =	vmul.f32 v18, v18;
	v16 =	vmul.f32 v16, v16  }
0xdb: {  	v20 =	vmax.f32 v24, $0.0e+00;
	v7 =	vmax.f32 v5, $0.0e+00;
	v6 =	vand.u32 $0x7FFFFFFF, v6  }
0xdc: {  	v11 =	vadd.f32 v11, v16;
	v21 =	vadd.f32 $-4.000000060e-01, v6;
	v6 =	vmul.f32 v7, v7  }
0xdd: {  	v16 =	vmul.f32 v13, v13;
	v13 =	vand.u32 $0x7FFFFFFF, v17;
	v17 =	vmax.f32 v19, $0.0e+00  }
0xde: {  	v20 =	vmul.f32 v20, v20;
	v17 =	vmul.f32 v17, v17;
	v6 =	vadd.f32 v18, v6  }
0xdf: {  	v7 =	vmax.f32 v9, $0.0e+00;
	v10 =	vmax.f32 v21, $0.0e+00;
	v18 =	vadd.f32 $-4.000000060e-01, v13  }
0xe0: {  	v13 =	vmul.f32 v7, v7;
	v10 =	vmul.f32 v10, v10;
	v7 =	vadd.f32 v14, v6  }
0xe1: {  	v6 =	vmul.f32 v8, v8;
	v8 =	vmax.f32 v15, $0.0e+00;
	v14 =	vmax.f32 v22, $0.0e+00  }
0xe2: {  	v10 =	vadd.f32 v10, v13;
	v14 =	vmul.f32 v14, v14;
	v26 =	vmul.f32 v8, v8  }
0xe3: {  	v17 =	vadd.f32 v6, v17;
	v6 =	vmul.f32 v25, v25;
	v25 =	vmax.f32 v18, $0.0e+00  }
0xe4: {  	v19 =	vmax.f32 v19, v12;
	v8 =	vadd.f32 v16, v11;
	v25 =	vmul.f32 v25, v25  }
0xe5: {  	v13 =	vmul.f32 $5.000000000e-01, v7;
	v6 =	vadd.f32 v6, v10;
	v10 =	vadd.f32 v26, v14  }
0xe6: {  	v27 =	vshra.s32 v7, $0x1;
	v16 =	vshra.s32 v8, $0x1;
	v12 =	vadd.f32 v25, v17  }
0xe7: {  	v11 =	vshra.s32 v6, $0x1;
	v25 =	vmul.f32 $5.000000000e-01, v6;
	v10 =	vadd.f32 v20, v10  }
0xe8: {  	v11 =	vsub.s32 $0x5F3759DF, v11;
	v14 =	vshra.s32 v12, $0x1;
	v26 =	vmul.f32 $5.000000000e-01, v12  }
0xe9: {  	v17 =	vsub.s32 $0x5F3759DF, v27;
	v20 =	vsub.s32 $0x5F3759DF, v14;
	v14 =	vmul.f32 v11, v25  }
0xea: {  	v28 =	vshra.s32 v10, $0x1;
	v29 =	vmul.f32 $5.000000000e-01, v10;
	v27 =	vmul.f32 v20, v26  }
0xeb: {  	v28 =	vsub.s32 $0x5F3759DF, v28;
	v30 =	vmul.f32 v11, v14;
	v14 =	vmul.f32 $5.000000000e-01, v8  }
0xec: {  	v32 =	vsub.s32 $0x5F3759DF, v16;
	v31 =	vmul.f32 v28, v29;
	v27 =	vmul.f32 v20, v27  }
0xed: {  	v16 =	vmax.f32 v19, v18;
	v30 =	vsub.f32 $1.500000000e+00, v30;
	v34 =	vmul.f32 v32, v14  }
0xee: {  	v33 =	vmul.f32 v17, v13;
	v19 =	vmul.f32 v28, v31;
	v18 =	vsub.f32 $1.500000000e+00, v27  }
0xef: {  	v21 =	vmax.f32 v9, v21;
	v9 =	vmul.f32 v11, v30;
	v11 =	vmul.f32 v32, v34  }
0xf0: {  	v27 =	vmul.f32 v17, v33;
	v20 =	vmul.f32 v20, v18;
	v18 =	vsub.f32 $1.500000000e+00, v19  }
0xf1: {  	v63 =	vmax.f32 v22, v15;
	v15 =	vmul.f32 v9, v25;
	v11 =	vsub.f32 $1.500000000e+00, v11  }
0xf2: {  	v22 =	vsub.f32 $1.500000000e+00, v27;
	v25 =	vmul.f32 v20, v26;
	v18 =	vmul.f32 v28, v18  }
0xf3: {  	v19 =	vmax.f32 v21, v23;
	v21 =	vmul.f32 v15, v9;
	v15 =	vmul.f32 v32, v11  }
0xf4: {  	s0 =	simm.s32 $0x140;
	v11 =	vmax.f32 v63, v24;
	v23 =	vmul.f32 v25, v20;
	v24 =	vmul.f32 v18, v29  }
.LBB2_6:
0xf5: {  	s17 =	sshra.s32 s0, $0x2;
	p1 =	sne.s32 s0, $0x7BC0;
	s0 =	sadd.s32 $0x140, s0;
	v3 =	vmax.f32 v5, v3;
	v5 =	vmul.f32 v17, v22;
	v2 =	vmax.f32 v4, v2  }
0xf6: {  	v4 =	vld [tilespmem:s17+$0x9D80];
	v17 =	vsub.f32 $1.500000000e+00, v23;
	v22 =	vmul.f32 v24, v18;
	v1 =	vmax.f32 v2, v1  }
0xf7: {  	v0 =	vmax.f32 v3, v0;
	v2 =	vld [tilespmem:s17+$0x9DC0];
	v3 =	vmul.f32 v5, v13;
	v13 =	vmin.f32 v1, $0.0e+00  }
0xf8: {  	v23 =	vmin.f32 v0, $0.0e+00;
	v1 =	vld [tilespmem:s17+$0x7E40];
	v0 =	vmul.f32 v17, v20;
	v17 =	vsub.f32 $1.500000000e+00, v22  }
0xf9: {  	v19 =	vmin.f32 v19, $0.0e+00;
	v22 =	vmin.f32 v11, $0.0e+00;
	v20 =	vld [tilespmem:s17+$0x5EC0];
	v3 =	vmul.f32 v3, v5  }
0xfa: {  	v11 =	vld [tilespmem:s17+$0x7E00];
	v0 =	vmul.f32 v0, v12;
	v12 =	vmin.f32 v16, $0.0e+00;
	v16 =	vmul.f32 v17, v18  }
0xfb: {  	v18 =	vsub.f32 $1.500000000e+00, v21;
	v4 =	vand.u32 $0x7FFFFFFF, v4;
	v17 =	vld [tilespmem:s17+$0x9DA0];
	v3 =	vsub.f32 $1.500000000e+00, v3  }
0xfc: {  	v21 =	vld [tilespmem:s17+$0x5E80];
	v24 =	vand.u32 $0x7FFFFFFF, v2;
	v12 =	vsub.f32 v0, v12;
	v10 =	vmul.f32 v16, v10  }
0xfd: {  	v0 =	vadd.f32 $-4.000000060e-01, v4;
	v4 =	vld [tilespmem:s17+$0x5E90];
	v1 =	vand.u32 $0x7FFFFFFF, v1;
	v3 =	vmul.f32 v3, v5  }
0xfe: {  	v5 =	vmul.f32 v15, v14;
	v16 =	vld [tilespmem:s17+$0x9DB0];
	v2 =	vadd.f32 $-4.000000060e-01, v1;
	v1 =	vadd.f32 $-4.000000060e-01, v24  }
0xff: {  	v20 =	vand.u32 $0x7FFFFFFF, v20;
	v11 =	vand.u32 $0x7FFFFFFF, v11;
	v14 =	vld [tilespmem:s17+$0x5EB0];
	v7 =	vmul.f32 v3, v7;
	[tilespmem:s3+$0xDC90] =	vst v12  }
0x100: {  	v5 =	vmul.f32 v5, v15;
	v3 =	vadd.f32 $-4.000000060e-01, v11;
	v12 =	vld [tilespmem:s17+$0x5EA0];
	v11 =	vand.u32 $0x7FFFFFFF, v17  }
0x101: {  	v17 =	vmax.f32 v0, $0.0e+00;
	v25 =	vmax.f32 v1, $0.0e+00;
	v24 =	vld [tilespmem:s17+$0x7E10];
	v11 =	vadd.f32 $-4.000000060e-01, v11  }
0x102: {  	v26 =	vmax.f32 v2, $0.0e+00;
	v17 =	vmul.f32 v17, v17;
	v27 =	vsub.f32 $1.500000000e+00, v5  }
0x103: {  	v5 =	vand.u32 $0x7FFFFFFF, v21;
	v21 =	vand.u32 $0x7FFFFFFF, v4;
	v4 =	vadd.f32 $-4.000000060e-01, v20;
	v28 =	vld [tilespmem:s17+$0x7E30]  }
0x104: {  	v5 =	vadd.f32 $-4.000000060e-01, v5;
	v15 =	vmul.f32 v27, v15;
	v14 =	vand.u32 $0x7FFFFFFF, v14  }
0x105: {  	v26 =	vmul.f32 v26, v26;
	v16 =	vand.u32 $0x7FFFFFFF, v16;
	v27 =	vmax.f32 v4, $0.0e+00;
	v20 =	vld [tilespmem:s17+$0x7E20]  }
0x106: {  	v12 =	vand.u32 $0x7FFFFFFF, v12;
	v30 =	vadd.f32 $-4.000000060e-01, v14;
	v29 =	vld [tilespmem:s17+$0x9D90];
	v24 =	vand.u32 $0x7FFFFFFF, v24  }
0x107: {  	v14 =	vmax.f32 v3, $0.0e+00;
	v27 =	vmul.f32 v27, v27;
	v8 =	vmul.f32 v15, v8  }
0x108: {  	v9 =	vmul.f32 v18, v9;
	v14 =	vmul.f32 v14, v14;
	v15 =	vand.u32 $0x7FFFFFFF, v28  }
0x109: {  	v18 =	vmax.f32 v5, $0.0e+00;
	v26 =	vadd.f32 v26, v27;
	v8 =	vsub.f32 v8, v13  }
0x10a: {  	v21 =	vadd.f32 $-4.000000060e-01, v21;
	v13 =	vand.u32 $0x7FFFFFFF, v20;
	v20 =	vmul.f32 v25, v25  }
0x10b: {  	v6 =	vmul.f32 v9, v6;
	v27 =	vmax.f32 v11, $0.0e+00;
	v25 =	vand.u32 $0x7FFFFFFF, v29;
	[tilespmem:s3+$0xDCC0] =	vst v8  }
0x10c: {  	v7 =	vsub.f32 v7, v23;
	v9 =	vmax.f32 v21, $0.0e+00;
	v8 =	vadd.f32 $-4.000000060e-01, v24  }
0x10d: {  	v6 =	vsub.f32 v6, v19;
	v9 =	vmul.f32 v9, v9;
	v15 =	vadd.f32 $-4.000000060e-01, v15  }
0x10e: {  	v23 =	vadd.f32 $-4.000000060e-01, v16;
	v18 =	vmul.f32 v18, v18;
	v19 =	vadd.f32 $-4.000000060e-01, v12;
	[tilespmem:s3+$0xDC80] =	vst v7  }
0x10f: {  	v10 =	vsub.f32 v10, v22;
	v24 =	vadd.f32 $-4.000000060e-01, v13;
	v7 =	vmax.f32 v30, $0.0e+00;
	[tilespmem:s3+$0xDCB0] =	vst v6  }
0x110: {  	v13 =	vmax.f32 v15, $0.0e+00;
	v12 =	vmax.f32 v8, $0.0e+00;
	v6 =	vadd.f32 v14, v18  }
0x111: {  	v16 =	vadd.f32 $-4.000000060e-01, v25;
	v13 =	vmul.f32 v13, v13;
	v14 =	vmul.f32 v7, v7;
	[tilespmem:s3+$0xDCA0] =	vst v10;
	s3 =	smov.u32 s17  }
0x112: {  	v7 =	vadd.f32 v17, v6;
	v6 =	vmul.f32 v12, v12;
	v10 =	vmax.f32 v24, $0.0e+00  }
0x113: {  	v12 =	vmax.f32 v19, $0.0e+00;
	v17 =	vmax.f32 v23, $0.0e+00;
	v14 =	vadd.f32 v13, v14  }
0x114: {  	v13 =	vmul.f32 $5.000000000e-01, v7;
	v9 =	vadd.f32 v6, v9;
	v6 =	vmul.f32 v17, v17  }
0x115: {  	v22 =	vmul.f32 v27, v27;
	v18 =	vmul.f32 v12, v12;
	v17 =	vmax.f32 v16, $0.0e+00  }
0x116: {  	v10 =	vmul.f32 v10, v10;
	v12 =	vmul.f32 v17, v17;
	v6 =	vadd.f32 v6, v14  }
0x117: {  	v21 =	vmax.f32 v21, v8;
	v8 =	vadd.f32 v20, v26;
	v14 =	vshra.s32 v7, $0x1  }
0x118: {  	v12 =	vadd.f32 v12, v9;
	v9 =	vadd.f32 v10, v18;
	v10 =	vshra.s32 v6, $0x1  }
0x119: {  	v20 =	vshra.s32 v8, $0x1;
	v25 =	vmul.f32 $5.000000000e-01, v6;
	v18 =	vsub.s32 $0x5F3759DF, v10  }
0x11a: {  	v26 =	vshra.s32 v12, $0x1;
	v27 =	vmul.f32 $5.000000000e-01, v12;
	v10 =	vadd.f32 v22, v9  }
0x11b: {  	v17 =	vsub.s32 $0x5F3759DF, v14;
	v22 =	vsub.s32 $0x5F3759DF, v26;
	v9 =	vmul.f32 v18, v25  }
0x11c: {  	v26 =	vmul.f32 v22, v27;
	v14 =	vshra.s32 v10, $0x1;
	v28 =	vmul.f32 $5.000000000e-01, v10  }
0x11d: {  	v29 =	vsub.s32 $0x5F3759DF, v14;
	v9 =	vmul.f32 v18, v9;
	v14 =	vmul.f32 $5.000000000e-01, v8  }
0x11e: {  	v32 =	vsub.s32 $0x5F3759DF, v20;
	v26 =	vmul.f32 v22, v26;
	v31 =	vmul.f32 v29, v28  }
0x11f: {  	v20 =	vmul.f32 v17, v13;
	v9 =	vsub.f32 $1.500000000e+00, v9;
	v33 =	vmul.f32 v32, v14  }
0x120: {  	v16 =	vmax.f32 v21, v16;
	v21 =	vsub.f32 $1.500000000e+00, v26;
	v26 =	vmul.f32 v29, v31  }
0x121: {  	v15 =	vmax.f32 v30, v15;
	v9 =	vmul.f32 v18, v9;
	v18 =	vmul.f32 v32, v33  }
.Ltmp6:
0x122: {  	v30 =	vmul.f32 v17, v20;
	v20 =	vmul.f32 v22, v21;
	v21 =	vsub.f32 $1.500000000e+00, v26;
	(pc) =	sbr.rel @p1 .LBB2_6-.Ltmp6, $4  }
0x123: {  	v24 =	vmax.f32 v19, v24;
	v25 =	vmul.f32 v9, v25;
	v26 =	vsub.f32 $1.500000000e+00, v18  }
0x124: {  	v22 =	vsub.f32 $1.500000000e+00, v30;
	v27 =	vmul.f32 v20, v27;
	v18 =	vmul.f32 v29, v21  }
0x125: {  	v19 =	vmax.f32 v15, v23;
	v21 =	vmul.f32 v25, v9;
	v15 =	vmul.f32 v32, v26  }
0x126: {  	v11 =	vmax.f32 v24, v11;
	v23 =	vmul.f32 v27, v20;
	v24 =	vmul.f32 v18, v28  }
0x127: {  	v17 =	vmul.f32 v17, v22;
	v14 =	vmul.f32 v15, v14  }
0x128: {  	v3 =	vmax.f32 v5, v3;
	v2 =	vmax.f32 v4, v2;
	v54 =	vsub.f32 $1.500000000e+00, v21  }
0x129: {  	v56 =	vmin.f32 v16, $0.0e+00;
	v50 =	vmul.f32 v24, v18;
	v13 =	vmul.f32 v17, v13  }
0x12a: {  	v59 =	vmin.f32 v19, $0.0e+00;
	v49 =	vsub.f32 $1.500000000e+00, v23;
	v48 =	vmul.f32 v14, v15  }
0x12b: {  	v5 =	vmul.f32 v54, v9;
	v55 =	vsub.f32 $1.500000000e+00, v50;
	v13 =	vmul.f32 v13, v17  }
0x12c: {  	v1 =	vmax.f32 v2, v1;
	v52 =	vmul.f32 v49, v20;
	v51 =	vsub.f32 $1.500000000e+00, v48  }
0x12d: {  	v58 =	vmul.f32 v5, v6;
	v57 =	vmul.f32 v55, v18;
	v53 =	vsub.f32 $1.500000000e+00, v13  }
0x12e: {  	v0 =	vmax.f32 v3, v0;
	v3 =	vmul.f32 v52, v12;
	v2 =	vmul.f32 v51, v15  }
0x12f: {  	v62 =	vsub.f32 v58, v59;
	v60 =	vmul.f32 v57, v10;
	v4 =	vmul.f32 v53, v17  }
0x130: {  	v61 =	vmin.f32 v11, $0.0e+00;
	v3 =	vsub.f32 v3, v56;
	v2 =	vmul.f32 v2, v8  }
0x131: {  	v1 =	vmin.f32 v1, $0.0e+00;
	[tilespmem:s3+$0xDCB0] =	vst v62;
	v63 =	vsub.f32 v60, v61;
	v4 =	vmul.f32 v4, v7  }
.Ltmp7:
0x132: {  	v0 =	vmin.f32 v0, $0.0e+00;
	[tilespmem:s3+$0xDC90] =	vst v3;
	v1 =	vsub.f32 v2, v1;
	(pc) =	sbr.rel .LBB2_8-.Ltmp7, $4  }
0x133: {  	s0 =	smul.u32 $0x3E8, s31;
	[tilespmem:s3+$0xDCA0] =	vst v63;
	v0 =	vsub.f32 v4, v0  }
0x134: {  	[tilespmem:s3+$0xDCC0] =	vst v1  }
0x135: {  	s0 =	sadd.s32 s5, s0;
	[tilespmem:s3+$0xDC80] =	vst v0  }
0x136: {  	[hbm4b:s0+s7] =	stream.linear.scatter [tilespmem:s25], [sflag:$0x4], $0x1F40, $0x38;
	[tilespmem:$0xFC00] =	vst v63  }
.LBB2_10:
0x137: {  	_ =	sfence.sel $0x180000  }
0x138: {  	[bflag:$0x0] =	sbarrier.arrive $0xFFFF  }
0x139: {  	_ =	strace $0x90000047  }
0x13a: {  	s0 =	stileid.u32;
	[bflag:$0x2] =	sbarrier.arrive $0xFFFF  }
0x13b: {  	p0 =	sne.s32 s0, $0x0;
	s0 =	rddreg [dreg:$0x4]  }
0x13c: {  	s0 =	sadd.s32 @!p0 $0x100000, s0  }
0x13d: {  	[sflag:s0] =	ssyncadd.tile.s32 @!p0 $0x1;
	_ =	shalt  }
.Lfunc_end2:
_tile_overlayer_lowered:
.L_overlay_start_2:
0x13e: {  	(tag) =	ssettag $0x2  }
0x13f: {  	s0 =	rddreg [dreg:$0x0];
	s2 =	stileid.u32  }
0x140: {  	s1 =	rddreg [dreg:$0x1];
	p0 =	sne.s32 s2, $0x0  }
0x141: {  	s3 =	rddreg [dreg:$0x2];
	[bflag:$0x3] =	sbarrier.arrive $0xFFFF;
	s2 =	simm.s32 @!p0 $0x1C05  }
0x142: {  	[timem:s3], [sflag:s2] =	dma.local @!p0 [hbm:s0], s1  }
0x143: {  	s0 =	simm.s32 @!p0 $0x5  }
0x144: {  	_ =	swait.ge @!p0 [sflag:s0], s1  }
0x145: {  	s1 =	ssub.s32 @!p0 $0x0, s1;
	[sflag:s0] =	ssyncset.done @!p0 $0x0  }
0x146: {  	[sflag:s0] =	ssyncadd.s32 @!p0 s1  }
0x147: {  	[bflag:$0x3] =	sbarrier.arrive $0xFFFF  }
0x148: {  	_ =	shalt  }

</sc_bundles>
